<compile_context>
chip_gen: v7x
topology: tpu7x:2x2x1
jax: 0.10.2.dev20260603
libtpu: 0.0.44.dev20260713+nightly
codegen_flags: <defaults>
</compile_context>

<pallas_src>
import functools

import jax
import jax.numpy as jnp
from jax import lax
from jax.experimental import pallas as pl
from jax.experimental.pallas import tpu as pltpu
from jax.experimental.pallas import tpu_sc as plsc

_NC = 2
_NS = 16
_NW = _NC * _NS
_CHUNK = 128
_NB = 5
_A = 3


def _gather_body(ch, embed, idx_hbm, table_hbm, out_hbm, idx_v, rows_v,
                 gsem, wsem):
    wid = lax.axis_index("s") * _NC + lax.axis_index("c")
    pltpu.sync_copy(idx_hbm.at[wid], idx_v)
    base = wid * (ch * _CHUNK)

    def gather(c, b):
        return pltpu.make_async_copy(
            table_hbm.at[idx_v.at[c]], rows_v.at[b], gsem.at[b])

    def write(c, b):
        return pltpu.make_async_copy(
            rows_v.at[b], out_hbm.at[pl.ds(base + c * _CHUNK, _CHUNK)],
            wsem.at[b])

    def step(c, b, do_wait_w, do_gather):
        gather(c, b).wait()
        write(c, b).start()
        f = c + _A
        bf = (b + _A) % _NB
        if do_wait_w:
            write(f - _NB, bf).wait()
        if do_gather:
            gather(f, bf).start()

    for r in range(_A):
        gather(r, r % _NB).start()

    for r in range(_NB):
        step(r, r, do_wait_w=(r + _A >= _NB), do_gather=True)

    def outer(j, carry):
        c0 = j * _NB
        for r in range(_NB):
            step(c0 + r, r, do_wait_w=True, do_gather=True)
        return carry

    lax.fori_loop(1, ch // _NB - 1, outer, 0)

    for r in range(_NB):
        step(ch - _NB + r, r, do_wait_w=(r + _A < _NB),
             do_gather=(r + _A < _NB))

    for b in range(_NB):
        write(ch - _NB + b, b).wait()


@functools.partial(jax.jit, static_argnums=(2, 3))
def _sc_gather(idx, table, ch, embed):
    n = _NW * ch * _CHUNK
    mesh = plsc.VectorSubcoreMesh(core_axis_name="c", subcore_axis_name="s")
    fn = pl.kernel(
        functools.partial(_gather_body, ch, embed),
        mesh=mesh,
        out_type=jax.ShapeDtypeStruct((n, embed), jnp.float32),
        scratch_types=[
            pltpu.VMEM((ch, _CHUNK), jnp.int32),
            pltpu.VMEM((_NB, _CHUNK, embed), jnp.float32),
            pltpu.SemaphoreType.DMA((_NB,)),
            pltpu.SemaphoreType.DMA((_NB,)),
        ],
    )
    return fn(idx, table)


def kernel(X, embedding_weight):
    b, s = X.shape
    vocab, embed = embedding_weight.shape
    n = b * s
    ch = n // (_NW * _CHUNK)
    idx = X.T.reshape(_NW, ch, _CHUNK).astype(jnp.int32)
    flat = _sc_gather(idx, embedding_weight, ch, embed)
    return jnp.transpose(flat.reshape(s, b, embed), (1, 0, 2))

# --- scband reference (transcript-rebuilt; emitter-appended) ---
"""Pipeline reference for scband-text-rnndecoder-module-70652212019788 (READ-ONLY COPY).

The authoritative reference and input builder live on the scoring server;
editing this copy changes nothing except your own understanding.
"""

import jax, jax.numpy as jnp
import numpy as np

VOCAB = 100000
EMBED = 128
BATCH = 4096
SEQ = 50

def setup_inputs(seed: int = 0) -> dict:
    key = jax.random.key(seed)
    k1, k2 = jax.random.split(key)
    X = jax.random.randint(k1, (BATCH, SEQ), 0, VOCAB, dtype=jnp.int64)
    embedding_weight = jax.random.normal(k2, (VOCAB, EMBED), dtype=jnp.float32)
    return {"X": X, "embedding_weight": embedding_weight}

def reference(X, embedding_weight):
    # Faithful translation of forward: out = self.embedding(X)
    out = jnp.take(embedding_weight, X, axis=0)
    return out

if __name__ == "__main__":
    import jax
    _d = setup_inputs()
    print(jax.jit(kernel)(*tuple(_d.values())))

</pallas_src>

<mosaic_0001>
#map = affine_map<(d0, d1) -> (0, 0, 0)>
#map1 = affine_map<(d0, d1) -> (0, 0)>
module attributes {stable_mosaic.version = 14 : i64} {
  func.func @_gather_body(%arg0: i32, %arg1: i32, %arg2: memref<32x50x128xi32, #tpu.memory_space<hbm>>, %arg3: memref<100000x128xf32, #tpu.memory_space<hbm>>, %arg4: memref<204800x128xf32, #tpu.memory_space<hbm>>, %arg5: memref<50x128xi32, #tpu.memory_space<vmem>>, %arg6: memref<5x128x128xf32, #tpu.memory_space<vmem>>, %arg7: memref<5x!tpu.dma_semaphore, #tpu.memory_space<semaphore_mem>>, %arg8: memref<5x!tpu.dma_semaphore, #tpu.memory_space<semaphore_mem>>) attributes {dimension_semantics = [#tpu.dimension_semantics<core_parallel>, #tpu.dimension_semantics<subcore_parallel>], iteration_bounds = array<i64: 2, 16>, scalar_prefetch = 0 : i64, scratch_operands = 4 : i64, tpu.core_type = #tpu.core_type<sc_vector_subcore>, window_params = [{transform_indices = #map}, {transform_indices = #map1}, {transform_indices = #map1}]} {
    %mul3A = arith.constant 2 : i32
    %mul3A_0 = arith.muli %arg1, %mul3A : i32
    %add3A = arith.addi %mul3A_0, %arg0 : i32
    "tpu.region"() ({
      %run_scoped3A = tpu.sem_alloc : memref<!tpu.dma_semaphore, #tpu.memory_space<semaphore_mem>>
      %dma_start3A_666 = arith.constant 0 : i32
      %dma_start3A_667 = arith.constant 0 : i32
      %dma_start3A_668 = tpu.memref_slice %arg2[%add3A, %dma_start3A_666, %dma_start3A_667] : memref<32x50x128xi32, #tpu.memory_space<hbm>> -> memref<1x50x128xi32, #tpu.memory_space<hbm>>
      %dma_start3A_669 = tpu.memref_squeeze %dma_start3A_668 : memref<1x50x128xi32, #tpu.memory_space<hbm>> -> memref<50x128xi32, #tpu.memory_space<hbm>>
      %dma_start3A_670 = arith.constant 0 : i32
      %dma_start3A_671 = arith.constant 0 : i32
      %dma_start3A_672 = tpu.memref_slice %arg2[%add3A, %dma_start3A_670, %dma_start3A_671] : memref<32x50x128xi32, #tpu.memory_space<hbm>> -> memref<1x50x128xi32, #tpu.memory_space<hbm>>
      %dma_start3A_673 = tpu.memref_squeeze %dma_start3A_672 : memref<1x50x128xi32, #tpu.memory_space<hbm>> -> memref<50x128xi32, #tpu.memory_space<hbm>>
      tpu.enqueue_dma source(%dma_start3A_673 : memref<50x128xi32, #tpu.memory_space<hbm>>) target(%arg5 : memref<50x128xi32, #tpu.memory_space<vmem>>) target_semaphore(%run_scoped3A : memref<!tpu.dma_semaphore, #tpu.memory_space<semaphore_mem>>)
      %dma_wait3A_674 = arith.constant 0 : i32
      %dma_wait3A_675 = arith.constant 0 : i32
      %dma_wait3A_676 = tpu.memref_slice %arg2[%add3A, %dma_wait3A_674, %dma_wait3A_675] : memref<32x50x128xi32, #tpu.memory_space<hbm>> -> memref<1x50x128xi32, #tpu.memory_space<hbm>>
      %dma_wait3A_677 = tpu.memref_squeeze %dma_wait3A_676 : memref<1x50x128xi32, #tpu.memory_space<hbm>> -> memref<50x128xi32, #tpu.memory_space<hbm>>
      %dma_wait3A_678 = arith.constant 0 : i32
      %dma_wait3A_679 = arith.constant 0 : i32
      %dma_wait3A_680 = tpu.memref_slice %arg2[%add3A, %dma_wait3A_678, %dma_wait3A_679] : memref<32x50x128xi32, #tpu.memory_space<hbm>> -> memref<1x50x128xi32, #tpu.memory_space<hbm>>
      %dma_wait3A_681 = tpu.memref_squeeze %dma_wait3A_680 : memref<1x50x128xi32, #tpu.memory_space<hbm>> -> memref<50x128xi32, #tpu.memory_space<hbm>>
      tpu.wait_dma2 semaphore(%run_scoped3A : memref<!tpu.dma_semaphore, #tpu.memory_space<semaphore_mem>>) src(%dma_wait3A_681 : memref<50x128xi32, #tpu.memory_space<hbm>>) dst(%arg5 : memref<50x128xi32, #tpu.memory_space<vmem>>)
      tpu.yield
    }) : () -> ()
    %mul3A_1 = arith.constant 6400 : i32
    %mul3A_2 = arith.muli %add3A, %mul3A_1 : i32
    %dma_start3A = arith.constant 0 : i32
    %dma_start3A_3 = arith.constant 0 : i32
    %dma_start3A_4 = arith.constant 0 : i32
    %dma_start3A_5 = arith.constant 0 : i32
    %dma_start3A_6 = arith.constant 0 : i32
    %dma_start3A_7 = tpu.memref_slice %arg6[%dma_start3A_3, %dma_start3A_5, %dma_start3A_6] : memref<5x128x128xf32, #tpu.memory_space<vmem>> -> memref<1x128x128xf32, #tpu.memory_space<vmem>>
    %dma_start3A_8 = tpu.memref_squeeze %dma_start3A_7 : memref<1x128x128xf32, #tpu.memory_space<vmem>> -> memref<128x128xf32, #tpu.memory_space<vmem>>
    %dma_start3A_9 = arith.constant 0 : i32
    %dma_start3A_10 = tpu.memref_slice %arg5[%dma_start3A, %dma_start3A_9] : memref<50x128xi32, #tpu.memory_space<vmem>> -> memref<1x128xi32, #tpu.memory_space<vmem>>
    %dma_start3A_11 = tpu.memref_squeeze %dma_start3A_10 : memref<1x128xi32, #tpu.memory_space<vmem>> -> memref<128xi32, #tpu.memory_space<vmem>>
    %dma_start3A_12 = arith.constant 0 : i32
    %dma_start3A_13 = arith.constant 0 : i32
    %dma_start3A_14 = tpu.memref_slice %arg3[%dma_start3A_12, %dma_start3A_13] : memref<100000x128xf32, #tpu.memory_space<hbm>> -> memref<100000x128xf32, #tpu.memory_space<hbm>>
    %dma_start3A_15 = tpu.memref_slice %arg7[%dma_start3A_4] : memref<5x!tpu.dma_semaphore, #tpu.memory_space<semaphore_mem>> -> memref<1x!tpu.dma_semaphore, #tpu.memory_space<semaphore_mem>>
    %dma_start3A_16 = tpu.memref_squeeze %dma_start3A_15 : memref<1x!tpu.dma_semaphore, #tpu.memory_space<semaphore_mem>> -> memref<!tpu.dma_semaphore, #tpu.memory_space<semaphore_mem>>
    tpu.enqueue_indirect_dma source(%dma_start3A_14 : memref<100000x128xf32, #tpu.memory_space<hbm>>) target(%dma_start3A_8 : memref<128x128xf32, #tpu.memory_space<vmem>>) offsets(%dma_start3A_11 : memref<128xi32, #tpu.memory_space<vmem>>) semaphore(%dma_start3A_16 : memref<!tpu.dma_semaphore, #tpu.memory_space<semaphore_mem>>)
    %dma_start3A_17 = arith.constant 1 : i32
    %dma_start3A_18 = arith.constant 1 : i32
    %dma_start3A_19 = arith.constant 1 : i32
    %dma_start3A_20 = arith.constant 0 : i32
    %dma_start3A_21 = arith.constant 0 : i32
    %dma_start3A_22 = tpu.memref_slice %arg6[%dma_start3A_18, %dma_start3A_20, %dma_start3A_21] : memref<5x128x128xf32, #tpu.memory_space<vmem>> -> memref<1x128x128xf32, #tpu.memory_space<vmem>>
    %dma_start3A_23 = tpu.memref_squeeze %dma_start3A_22 : memref<1x128x128xf32, #tpu.memory_space<vmem>> -> memref<128x128xf32, #tpu.memory_space<vmem>>
    %dma_start3A_24 = arith.constant 0 : i32
    %dma_start3A_25 = tpu.memref_slice %arg5[%dma_start3A_17, %dma_start3A_24] : memref<50x128xi32, #tpu.memory_space<vmem>> -> memref<1x128xi32, #tpu.memory_space<vmem>>
    %dma_start3A_26 = tpu.memref_squeeze %dma_start3A_25 : memref<1x128xi32, #tpu.memory_space<vmem>> -> memref<128xi32, #tpu.memory_space<vmem>>
    %dma_start3A_27 = arith.constant 0 : i32
    %dma_start3A_28 = arith.constant 0 : i32
    %dma_start3A_29 = tpu.memref_slice %arg3[%dma_start3A_27, %dma_start3A_28] : memref<100000x128xf32, #tpu.memory_space<hbm>> -> memref<100000x128xf32, #tpu.memory_space<hbm>>
    %dma_start3A_30 = tpu.memref_slice %arg7[%dma_start3A_19] : memref<5x!tpu.dma_semaphore, #tpu.memory_space<semaphore_mem>> -> memref<1x!tpu.dma_semaphore, #tpu.memory_space<semaphore_mem>>
    %dma_start3A_31 = tpu.memref_squeeze %dma_start3A_30 : memref<1x!tpu.dma_semaphore, #tpu.memory_space<semaphore_mem>> -> memref<!tpu.dma_semaphore, #tpu.memory_space<semaphore_mem>>
    tpu.enqueue_indirect_dma source(%dma_start3A_29 : memref<100000x128xf32, #tpu.memory_space<hbm>>) target(%dma_start3A_23 : memref<128x128xf32, #tpu.memory_space<vmem>>) offsets(%dma_start3A_26 : memref<128xi32, #tpu.memory_space<vmem>>) semaphore(%dma_start3A_31 : memref<!tpu.dma_semaphore, #tpu.memory_space<semaphore_mem>>)
    %dma_start3A_32 = arith.constant 2 : i32
    %dma_start3A_33 = arith.constant 2 : i32
    %dma_start3A_34 = arith.constant 2 : i32
    %dma_start3A_35 = arith.constant 0 : i32
    %dma_start3A_36 = arith.constant 0 : i32
    %dma_start3A_37 = tpu.memref_slice %arg6[%dma_start3A_33, %dma_start3A_35, %dma_start3A_36] : memref<5x128x128xf32, #tpu.memory_space<vmem>> -> memref<1x128x128xf32, #tpu.memory_space<vmem>>
    %dma_start3A_38 = tpu.memref_squeeze %dma_start3A_37 : memref<1x128x128xf32, #tpu.memory_space<vmem>> -> memref<128x128xf32, #tpu.memory_space<vmem>>
    %dma_start3A_39 = arith.constant 0 : i32
    %dma_start3A_40 = tpu.memref_slice %arg5[%dma_start3A_32, %dma_start3A_39] : memref<50x128xi32, #tpu.memory_space<vmem>> -> memref<1x128xi32, #tpu.memory_space<vmem>>
    %dma_start3A_41 = tpu.memref_squeeze %dma_start3A_40 : memref<1x128xi32, #tpu.memory_space<vmem>> -> memref<128xi32, #tpu.memory_space<vmem>>
    %dma_start3A_42 = arith.constant 0 : i32
    %dma_start3A_43 = arith.constant 0 : i32
    %dma_start3A_44 = tpu.memref_slice %arg3[%dma_start3A_42, %dma_start3A_43] : memref<100000x128xf32, #tpu.memory_space<hbm>> -> memref<100000x128xf32, #tpu.memory_space<hbm>>
    %dma_start3A_45 = tpu.memref_slice %arg7[%dma_start3A_34] : memref<5x!tpu.dma_semaphore, #tpu.memory_space<semaphore_mem>> -> memref<1x!tpu.dma_semaphore, #tpu.memory_space<semaphore_mem>>
    %dma_start3A_46 = tpu.memref_squeeze %dma_start3A_45 : memref<1x!tpu.dma_semaphore, #tpu.memory_space<semaphore_mem>> -> memref<!tpu.dma_semaphore, #tpu.memory_space<semaphore_mem>>
    tpu.enqueue_indirect_dma source(%dma_start3A_44 : memref<100000x128xf32, #tpu.memory_space<hbm>>) target(%dma_start3A_38 : memref<128x128xf32, #tpu.memory_space<vmem>>) offsets(%dma_start3A_41 : memref<128xi32, #tpu.memory_space<vmem>>) semaphore(%dma_start3A_46 : memref<!tpu.dma_semaphore, #tpu.memory_space<semaphore_mem>>)
    %dma_wait3A = arith.constant 0 : i32
    %dma_wait3A_47 = arith.constant 0 : i32
    %dma_wait3A_48 = arith.constant 0 : i32
    %dma_wait3A_49 = arith.constant 0 : i32
    %dma_wait3A_50 = arith.constant 0 : i32
    %dma_wait3A_51 = tpu.memref_slice %arg6[%dma_wait3A_47, %dma_wait3A_49, %dma_wait3A_50] : memref<5x128x128xf32, #tpu.memory_space<vmem>> -> memref<1x128x128xf32, #tpu.memory_space<vmem>>
    %dma_wait3A_52 = tpu.memref_squeeze %dma_wait3A_51 : memref<1x128x128xf32, #tpu.memory_space<vmem>> -> memref<128x128xf32, #tpu.memory_space<vmem>>
    %dma_wait3A_53 = arith.constant 0 : i32
    %dma_wait3A_54 = tpu.memref_slice %arg5[%dma_wait3A, %dma_wait3A_53] : memref<50x128xi32, #tpu.memory_space<vmem>> -> memref<1x128xi32, #tpu.memory_space<vmem>>
    %dma_wait3A_55 = tpu.memref_squeeze %dma_wait3A_54 : memref<1x128xi32, #tpu.memory_space<vmem>> -> memref<128xi32, #tpu.memory_space<vmem>>
    %dma_wait3A_56 = arith.constant 0 : i32
    %dma_wait3A_57 = arith.constant 0 : i32
    %dma_wait3A_58 = tpu.memref_slice %arg3[%dma_wait3A_56, %dma_wait3A_57] : memref<100000x128xf32, #tpu.memory_space<hbm>> -> memref<100000x128xf32, #tpu.memory_space<hbm>>
    %dma_wait3A_59 = tpu.memref_slice %arg7[%dma_wait3A_48] : memref<5x!tpu.dma_semaphore, #tpu.memory_space<semaphore_mem>> -> memref<1x!tpu.dma_semaphore, #tpu.memory_space<semaphore_mem>>
    %dma_wait3A_60 = tpu.memref_squeeze %dma_wait3A_59 : memref<1x!tpu.dma_semaphore, #tpu.memory_space<semaphore_mem>> -> memref<!tpu.dma_semaphore, #tpu.memory_space<semaphore_mem>>
    tpu.wait_indirect_dma semaphore(%dma_wait3A_60 : memref<!tpu.dma_semaphore, #tpu.memory_space<semaphore_mem>>) src(%dma_wait3A_58 : memref<100000x128xf32, #tpu.memory_space<hbm>>) dst(%dma_wait3A_52 : memref<128x128xf32, #tpu.memory_space<vmem>>)
    %add3A_61 = arith.constant 0 : i32
    %add3A_62 = arith.addi %mul3A_2, %add3A_61 : i32
    %dma_start3A_63 = arith.constant 0 : i32
    %dma_start3A_64 = arith.constant 0 : i32
    %dma_start3A_65 = arith.constant 0 : i32
    %dma_start3A_66 = arith.constant 0 : i32
    %dma_start3A_67 = tpu.memref_slice %arg6[%dma_start3A_63, %dma_start3A_65, %dma_start3A_66] : memref<5x128x128xf32, #tpu.memory_space<vmem>> -> memref<1x128x128xf32, #tpu.memory_space<vmem>>
    %dma_start3A_68 = tpu.memref_squeeze %dma_start3A_67 : memref<1x128x128xf32, #tpu.memory_space<vmem>> -> memref<128x128xf32, #tpu.memory_space<vmem>>
    %dma_start3A_69 = arith.constant 0 : i32
    %dma_start3A_70 = tpu.memref_slice %arg4[%add3A_62, %dma_start3A_69] : memref<204800x128xf32, #tpu.memory_space<hbm>> -> memref<128x128xf32, #tpu.memory_space<hbm>>
    %dma_start3A_71 = tpu.memref_slice %arg8[%dma_start3A_64] : memref<5x!tpu.dma_semaphore, #tpu.memory_space<semaphore_mem>> -> memref<1x!tpu.dma_semaphore, #tpu.memory_space<semaphore_mem>>
    %dma_start3A_72 = tpu.memref_squeeze %dma_start3A_71 : memref<1x!tpu.dma_semaphore, #tpu.memory_space<semaphore_mem>> -> memref<!tpu.dma_semaphore, #tpu.memory_space<semaphore_mem>>
    %dma_start3A_73 = arith.constant 0 : i32
    %dma_start3A_74 = tpu.memref_slice %arg4[%add3A_62, %dma_start3A_73] : memref<204800x128xf32, #tpu.memory_space<hbm>> -> memref<128x128xf32, #tpu.memory_space<hbm>>
    %dma_start3A_75 = arith.constant 0 : i32
    %dma_start3A_76 = arith.constant 0 : i32
    %dma_start3A_77 = tpu.memref_slice %arg6[%dma_start3A_63, %dma_start3A_75, %dma_start3A_76] : memref<5x128x128xf32, #tpu.memory_space<vmem>> -> memref<1x128x128xf32, #tpu.memory_space<vmem>>
    %dma_start3A_78 = tpu.memref_squeeze %dma_start3A_77 : memref<1x128x128xf32, #tpu.memory_space<vmem>> -> memref<128x128xf32, #tpu.memory_space<vmem>>
    tpu.enqueue_dma source(%dma_start3A_78 : memref<128x128xf32, #tpu.memory_space<vmem>>) target(%dma_start3A_74 : memref<128x128xf32, #tpu.memory_space<hbm>>) target_semaphore(%dma_start3A_72 : memref<!tpu.dma_semaphore, #tpu.memory_space<semaphore_mem>>)
    %dma_start3A_79 = arith.constant 3 : i32
    %dma_start3A_80 = arith.constant 3 : i32
    %dma_start3A_81 = arith.constant 3 : i32
    %dma_start3A_82 = arith.constant 0 : i32
    %dma_start3A_83 = arith.constant 0 : i32
    %dma_start3A_84 = tpu.memref_slice %arg6[%dma_start3A_80, %dma_start3A_82, %dma_start3A_83] : memref<5x128x128xf32, #tpu.memory_space<vmem>> -> memref<1x128x128xf32, #tpu.memory_space<vmem>>
    %dma_start3A_85 = tpu.memref_squeeze %dma_start3A_84 : memref<1x128x128xf32, #tpu.memory_space<vmem>> -> memref<128x128xf32, #tpu.memory_space<vmem>>
    %dma_start3A_86 = arith.constant 0 : i32
    %dma_start3A_87 = tpu.memref_slice %arg5[%dma_start3A_79, %dma_start3A_86] : memref<50x128xi32, #tpu.memory_space<vmem>> -> memref<1x128xi32, #tpu.memory_space<vmem>>
    %dma_start3A_88 = tpu.memref_squeeze %dma_start3A_87 : memref<1x128xi32, #tpu.memory_space<vmem>> -> memref<128xi32, #tpu.memory_space<vmem>>
    %dma_start3A_89 = arith.constant 0 : i32
    %dma_start3A_90 = arith.constant 0 : i32
    %dma_start3A_91 = tpu.memref_slice %arg3[%dma_start3A_89, %dma_start3A_90] : memref<100000x128xf32, #tpu.memory_space<hbm>> -> memref<100000x128xf32, #tpu.memory_space<hbm>>
    %dma_start3A_92 = tpu.memref_slice %arg7[%dma_start3A_81] : memref<5x!tpu.dma_semaphore, #tpu.memory_space<semaphore_mem>> -> memref<1x!tpu.dma_semaphore, #tpu.memory_space<semaphore_mem>>
    %dma_start3A_93 = tpu.memref_squeeze %dma_start3A_92 : memref<1x!tpu.dma_semaphore, #tpu.memory_space<semaphore_mem>> -> memref<!tpu.dma_semaphore, #tpu.memory_space<semaphore_mem>>
    tpu.enqueue_indirect_dma source(%dma_start3A_91 : memref<100000x128xf32, #tpu.memory_space<hbm>>) target(%dma_start3A_85 : memref<128x128xf32, #tpu.memory_space<vmem>>) offsets(%dma_start3A_88 : memref<128xi32, #tpu.memory_space<vmem>>) semaphore(%dma_start3A_93 : memref<!tpu.dma_semaphore, #tpu.memory_space<semaphore_mem>>)
    %dma_wait3A_94 = arith.constant 1 : i32
    %dma_wait3A_95 = arith.constant 1 : i32
    %dma_wait3A_96 = arith.constant 1 : i32
    %dma_wait3A_97 = arith.constant 0 : i32
    %dma_wait3A_98 = arith.constant 0 : i32
    %dma_wait3A_99 = tpu.memref_slice %arg6[%dma_wait3A_95, %dma_wait3A_97, %dma_wait3A_98] : memref<5x128x128xf32, #tpu.memory_space<vmem>> -> memref<1x128x128xf32, #tpu.memory_space<vmem>>
    %dma_wait3A_100 = tpu.memref_squeeze %dma_wait3A_99 : memref<1x128x128xf32, #tpu.memory_space<vmem>> -> memref<128x128xf32, #tpu.memory_space<vmem>>
    %dma_wait3A_101 = arith.constant 0 : i32
    %dma_wait3A_102 = tpu.memref_slice %arg5[%dma_wait3A_94, %dma_wait3A_101] : memref<50x128xi32, #tpu.memory_space<vmem>> -> memref<1x128xi32, #tpu.memory_space<vmem>>
    %dma_wait3A_103 = tpu.memref_squeeze %dma_wait3A_102 : memref<1x128xi32, #tpu.memory_space<vmem>> -> memref<128xi32, #tpu.memory_space<vmem>>
    %dma_wait3A_104 = arith.constant 0 : i32
    %dma_wait3A_105 = arith.constant 0 : i32
    %dma_wait3A_106 = tpu.memref_slice %arg3[%dma_wait3A_104, %dma_wait3A_105] : memref<100000x128xf32, #tpu.memory_space<hbm>> -> memref<100000x128xf32, #tpu.memory_space<hbm>>
    %dma_wait3A_107 = tpu.memref_slice %arg7[%dma_wait3A_96] : memref<5x!tpu.dma_semaphore, #tpu.memory_space<semaphore_mem>> -> memref<1x!tpu.dma_semaphore, #tpu.memory_space<semaphore_mem>>
    %dma_wait3A_108 = tpu.memref_squeeze %dma_wait3A_107 : memref<1x!tpu.dma_semaphore, #tpu.memory_space<semaphore_mem>> -> memref<!tpu.dma_semaphore, #tpu.memory_space<semaphore_mem>>
    tpu.wait_indirect_dma semaphore(%dma_wait3A_108 : memref<!tpu.dma_semaphore, #tpu.memory_space<semaphore_mem>>) src(%dma_wait3A_106 : memref<100000x128xf32, #tpu.memory_space<hbm>>) dst(%dma_wait3A_100 : memref<128x128xf32, #tpu.memory_space<vmem>>)
    %add3A_109 = arith.constant 128 : i32
    %add3A_110 = arith.addi %mul3A_2, %add3A_109 : i32
    %dma_start3A_111 = arith.constant 1 : i32
    %dma_start3A_112 = arith.constant 1 : i32
    %dma_start3A_113 = arith.constant 0 : i32
    %dma_start3A_114 = arith.constant 0 : i32
    %dma_start3A_115 = tpu.memref_slice %arg6[%dma_start3A_111, %dma_start3A_113, %dma_start3A_114] : memref<5x128x128xf32, #tpu.memory_space<vmem>> -> memref<1x128x128xf32, #tpu.memory_space<vmem>>
    %dma_start3A_116 = tpu.memref_squeeze %dma_start3A_115 : memref<1x128x128xf32, #tpu.memory_space<vmem>> -> memref<128x128xf32, #tpu.memory_space<vmem>>
    %dma_start3A_117 = arith.constant 0 : i32
    %dma_start3A_118 = tpu.memref_slice %arg4[%add3A_110, %dma_start3A_117] : memref<204800x128xf32, #tpu.memory_space<hbm>> -> memref<128x128xf32, #tpu.memory_space<hbm>>
    %dma_start3A_119 = tpu.memref_slice %arg8[%dma_start3A_112] : memref<5x!tpu.dma_semaphore, #tpu.memory_space<semaphore_mem>> -> memref<1x!tpu.dma_semaphore, #tpu.memory_space<semaphore_mem>>
    %dma_start3A_120 = tpu.memref_squeeze %dma_start3A_119 : memref<1x!tpu.dma_semaphore, #tpu.memory_space<semaphore_mem>> -> memref<!tpu.dma_semaphore, #tpu.memory_space<semaphore_mem>>
    %dma_start3A_121 = arith.constant 0 : i32
    %dma_start3A_122 = tpu.memref_slice %arg4[%add3A_110, %dma_start3A_121] : memref<204800x128xf32, #tpu.memory_space<hbm>> -> memref<128x128xf32, #tpu.memory_space<hbm>>
    %dma_start3A_123 = arith.constant 0 : i32
    %dma_start3A_124 = arith.constant 0 : i32
    %dma_start3A_125 = tpu.memref_slice %arg6[%dma_start3A_111, %dma_start3A_123, %dma_start3A_124] : memref<5x128x128xf32, #tpu.memory_space<vmem>> -> memref<1x128x128xf32, #tpu.memory_space<vmem>>
    %dma_start3A_126 = tpu.memref_squeeze %dma_start3A_125 : memref<1x128x128xf32, #tpu.memory_space<vmem>> -> memref<128x128xf32, #tpu.memory_space<vmem>>
    tpu.enqueue_dma source(%dma_start3A_126 : memref<128x128xf32, #tpu.memory_space<vmem>>) target(%dma_start3A_122 : memref<128x128xf32, #tpu.memory_space<hbm>>) target_semaphore(%dma_start3A_120 : memref<!tpu.dma_semaphore, #tpu.memory_space<semaphore_mem>>)
    %dma_start3A_127 = arith.constant 4 : i32
    %dma_start3A_128 = arith.constant 4 : i32
    %dma_start3A_129 = arith.constant 4 : i32
    %dma_start3A_130 = arith.constant 0 : i32
    %dma_start3A_131 = arith.constant 0 : i32
    %dma_start3A_132 = tpu.memref_slice %arg6[%dma_start3A_128, %dma_start3A_130, %dma_start3A_131] : memref<5x128x128xf32, #tpu.memory_space<vmem>> -> memref<1x128x128xf32, #tpu.memory_space<vmem>>
    %dma_start3A_133 = tpu.memref_squeeze %dma_start3A_132 : memref<1x128x128xf32, #tpu.memory_space<vmem>> -> memref<128x128xf32, #tpu.memory_space<vmem>>
    %dma_start3A_134 = arith.constant 0 : i32
    %dma_start3A_135 = tpu.memref_slice %arg5[%dma_start3A_127, %dma_start3A_134] : memref<50x128xi32, #tpu.memory_space<vmem>> -> memref<1x128xi32, #tpu.memory_space<vmem>>
    %dma_start3A_136 = tpu.memref_squeeze %dma_start3A_135 : memref<1x128xi32, #tpu.memory_space<vmem>> -> memref<128xi32, #tpu.memory_space<vmem>>
    %dma_start3A_137 = arith.constant 0 : i32
    %dma_start3A_138 = arith.constant 0 : i32
    %dma_start3A_139 = tpu.memref_slice %arg3[%dma_start3A_137, %dma_start3A_138] : memref<100000x128xf32, #tpu.memory_space<hbm>> -> memref<100000x128xf32, #tpu.memory_space<hbm>>
    %dma_start3A_140 = tpu.memref_slice %arg7[%dma_start3A_129] : memref<5x!tpu.dma_semaphore, #tpu.memory_space<semaphore_mem>> -> memref<1x!tpu.dma_semaphore, #tpu.memory_space<semaphore_mem>>
    %dma_start3A_141 = tpu.memref_squeeze %dma_start3A_140 : memref<1x!tpu.dma_semaphore, #tpu.memory_space<semaphore_mem>> -> memref<!tpu.dma_semaphore, #tpu.memory_space<semaphore_mem>>
    tpu.enqueue_indirect_dma source(%dma_start3A_139 : memref<100000x128xf32, #tpu.memory_space<hbm>>) target(%dma_start3A_133 : memref<128x128xf32, #tpu.memory_space<vmem>>) offsets(%dma_start3A_136 : memref<128xi32, #tpu.memory_space<vmem>>) semaphore(%dma_start3A_141 : memref<!tpu.dma_semaphore, #tpu.memory_space<semaphore_mem>>)
    %dma_wait3A_142 = arith.constant 2 : i32
    %dma_wait3A_143 = arith.constant 2 : i32
    %dma_wait3A_144 = arith.constant 2 : i32
    %dma_wait3A_145 = arith.constant 0 : i32
    %dma_wait3A_146 = arith.constant 0 : i32
    %dma_wait3A_147 = tpu.memref_slice %arg6[%dma_wait3A_143, %dma_wait3A_145, %dma_wait3A_146] : memref<5x128x128xf32, #tpu.memory_space<vmem>> -> memref<1x128x128xf32, #tpu.memory_space<vmem>>
    %dma_wait3A_148 = tpu.memref_squeeze %dma_wait3A_147 : memref<1x128x128xf32, #tpu.memory_space<vmem>> -> memref<128x128xf32, #tpu.memory_space<vmem>>
    %dma_wait3A_149 = arith.constant 0 : i32
    %dma_wait3A_150 = tpu.memref_slice %arg5[%dma_wait3A_142, %dma_wait3A_149] : memref<50x128xi32, #tpu.memory_space<vmem>> -> memref<1x128xi32, #tpu.memory_space<vmem>>
    %dma_wait3A_151 = tpu.memref_squeeze %dma_wait3A_150 : memref<1x128xi32, #tpu.memory_space<vmem>> -> memref<128xi32, #tpu.memory_space<vmem>>
    %dma_wait3A_152 = arith.constant 0 : i32
    %dma_wait3A_153 = arith.constant 0 : i32
    %dma_wait3A_154 = tpu.memref_slice %arg3[%dma_wait3A_152, %dma_wait3A_153] : memref<100000x128xf32, #tpu.memory_space<hbm>> -> memref<100000x128xf32, #tpu.memory_space<hbm>>
    %dma_wait3A_155 = tpu.memref_slice %arg7[%dma_wait3A_144] : memref<5x!tpu.dma_semaphore, #tpu.memory_space<semaphore_mem>> -> memref<1x!tpu.dma_semaphore, #tpu.memory_space<semaphore_mem>>
    %dma_wait3A_156 = tpu.memref_squeeze %dma_wait3A_155 : memref<1x!tpu.dma_semaphore, #tpu.memory_space<semaphore_mem>> -> memref<!tpu.dma_semaphore, #tpu.memory_space<semaphore_mem>>
    tpu.wait_indirect_dma semaphore(%dma_wait3A_156 : memref<!tpu.dma_semaphore, #tpu.memory_space<semaphore_mem>>) src(%dma_wait3A_154 : memref<100000x128xf32, #tpu.memory_space<hbm>>) dst(%dma_wait3A_148 : memref<128x128xf32, #tpu.memory_space<vmem>>)
    %add3A_157 = arith.constant 256 : i32
    %add3A_158 = arith.addi %mul3A_2, %add3A_157 : i32
    %dma_start3A_159 = arith.constant 2 : i32
    %dma_start3A_160 = arith.constant 2 : i32
    %dma_start3A_161 = arith.constant 0 : i32
    %dma_start3A_162 = arith.constant 0 : i32
    %dma_start3A_163 = tpu.memref_slice %arg6[%dma_start3A_159, %dma_start3A_161, %dma_start3A_162] : memref<5x128x128xf32, #tpu.memory_space<vmem>> -> memref<1x128x128xf32, #tpu.memory_space<vmem>>
    %dma_start3A_164 = tpu.memref_squeeze %dma_start3A_163 : memref<1x128x128xf32, #tpu.memory_space<vmem>> -> memref<128x128xf32, #tpu.memory_space<vmem>>
    %dma_start3A_165 = arith.constant 0 : i32
    %dma_start3A_166 = tpu.memref_slice %arg4[%add3A_158, %dma_start3A_165] : memref<204800x128xf32, #tpu.memory_space<hbm>> -> memref<128x128xf32, #tpu.memory_space<hbm>>
    %dma_start3A_167 = tpu.memref_slice %arg8[%dma_start3A_160] : memref<5x!tpu.dma_semaphore, #tpu.memory_space<semaphore_mem>> -> memref<1x!tpu.dma_semaphore, #tpu.memory_space<semaphore_mem>>
    %dma_start3A_168 = tpu.memref_squeeze %dma_start3A_167 : memref<1x!tpu.dma_semaphore, #tpu.memory_space<semaphore_mem>> -> memref<!tpu.dma_semaphore, #tpu.memory_space<semaphore_mem>>
    %dma_start3A_169 = arith.constant 0 : i32
    %dma_start3A_170 = tpu.memref_slice %arg4[%add3A_158, %dma_start3A_169] : memref<204800x128xf32, #tpu.memory_space<hbm>> -> memref<128x128xf32, #tpu.memory_space<hbm>>
    %dma_start3A_171 = arith.constant 0 : i32
    %dma_start3A_172 = arith.constant 0 : i32
    %dma_start3A_173 = tpu.memref_slice %arg6[%dma_start3A_159, %dma_start3A_171, %dma_start3A_172] : memref<5x128x128xf32, #tpu.memory_space<vmem>> -> memref<1x128x128xf32, #tpu.memory_space<vmem>>
    %dma_start3A_174 = tpu.memref_squeeze %dma_start3A_173 : memref<1x128x128xf32, #tpu.memory_space<vmem>> -> memref<128x128xf32, #tpu.memory_space<vmem>>
    tpu.enqueue_dma source(%dma_start3A_174 : memref<128x128xf32, #tpu.memory_space<vmem>>) target(%dma_start3A_170 : memref<128x128xf32, #tpu.memory_space<hbm>>) target_semaphore(%dma_start3A_168 : memref<!tpu.dma_semaphore, #tpu.memory_space<semaphore_mem>>)
    %add3A_175 = arith.constant 0 : i32
    %add3A_176 = arith.addi %mul3A_2, %add3A_175 : i32
    %dma_wait3A_177 = arith.constant 0 : i32
    %dma_wait3A_178 = arith.constant 0 : i32
    %dma_wait3A_179 = arith.constant 0 : i32
    %dma_wait3A_180 = arith.constant 0 : i32
    %dma_wait3A_181 = tpu.memref_slice %arg6[%dma_wait3A_177, %dma_wait3A_179, %dma_wait3A_180] : memref<5x128x128xf32, #tpu.memory_space<vmem>> -> memref<1x128x128xf32, #tpu.memory_space<vmem>>
    %dma_wait3A_182 = tpu.memref_squeeze %dma_wait3A_181 : memref<1x128x128xf32, #tpu.memory_space<vmem>> -> memref<128x128xf32, #tpu.memory_space<vmem>>
    %dma_wait3A_183 = arith.constant 0 : i32
    %dma_wait3A_184 = tpu.memref_slice %arg4[%add3A_176, %dma_wait3A_183] : memref<204800x128xf32, #tpu.memory_space<hbm>> -> memref<128x128xf32, #tpu.memory_space<hbm>>
    %dma_wait3A_185 = tpu.memref_slice %arg8[%dma_wait3A_178] : memref<5x!tpu.dma_semaphore, #tpu.memory_space<semaphore_mem>> -> memref<1x!tpu.dma_semaphore, #tpu.memory_space<semaphore_mem>>
    %dma_wait3A_186 = tpu.memref_squeeze %dma_wait3A_185 : memref<1x!tpu.dma_semaphore, #tpu.memory_space<semaphore_mem>> -> memref<!tpu.dma_semaphore, #tpu.memory_space<semaphore_mem>>
    %dma_wait3A_187 = arith.constant 0 : i32
    %dma_wait3A_188 = tpu.memref_slice %arg4[%add3A_176, %dma_wait3A_187] : memref<204800x128xf32, #tpu.memory_space<hbm>> -> memref<128x128xf32, #tpu.memory_space<hbm>>
    %dma_wait3A_189 = arith.constant 0 : i32
    %dma_wait3A_190 = arith.constant 0 : i32
    %dma_wait3A_191 = tpu.memref_slice %arg6[%dma_wait3A_177, %dma_wait3A_189, %dma_wait3A_190] : memref<5x128x128xf32, #tpu.memory_space<vmem>> -> memref<1x128x128xf32, #tpu.memory_space<vmem>>
    %dma_wait3A_192 = tpu.memref_squeeze %dma_wait3A_191 : memref<1x128x128xf32, #tpu.memory_space<vmem>> -> memref<128x128xf32, #tpu.memory_space<vmem>>
    tpu.wait_dma2 semaphore(%dma_wait3A_186 : memref<!tpu.dma_semaphore, #tpu.memory_space<semaphore_mem>>) src(%dma_wait3A_192 : memref<128x128xf32, #tpu.memory_space<vmem>>) dst(%dma_wait3A_188 : memref<128x128xf32, #tpu.memory_space<hbm>>)
    %dma_start3A_193 = arith.constant 5 : i32
    %dma_start3A_194 = arith.constant 0 : i32
    %dma_start3A_195 = arith.constant 0 : i32
    %dma_start3A_196 = arith.constant 0 : i32
    %dma_start3A_197 = arith.constant 0 : i32
    %dma_start3A_198 = tpu.memref_slice %arg6[%dma_start3A_194, %dma_start3A_196, %dma_start3A_197] : memref<5x128x128xf32, #tpu.memory_space<vmem>> -> memref<1x128x128xf32, #tpu.memory_space<vmem>>
    %dma_start3A_199 = tpu.memref_squeeze %dma_start3A_198 : memref<1x128x128xf32, #tpu.memory_space<vmem>> -> memref<128x128xf32, #tpu.memory_space<vmem>>
    %dma_start3A_200 = arith.constant 0 : i32
    %dma_start3A_201 = tpu.memref_slice %arg5[%dma_start3A_193, %dma_start3A_200] : memref<50x128xi32, #tpu.memory_space<vmem>> -> memref<1x128xi32, #tpu.memory_space<vmem>>
    %dma_start3A_202 = tpu.memref_squeeze %dma_start3A_201 : memref<1x128xi32, #tpu.memory_space<vmem>> -> memref<128xi32, #tpu.memory_space<vmem>>
    %dma_start3A_203 = arith.constant 0 : i32
    %dma_start3A_204 = arith.constant 0 : i32
    %dma_start3A_205 = tpu.memref_slice %arg3[%dma_start3A_203, %dma_start3A_204] : memref<100000x128xf32, #tpu.memory_space<hbm>> -> memref<100000x128xf32, #tpu.memory_space<hbm>>
    %dma_start3A_206 = tpu.memref_slice %arg7[%dma_start3A_195] : memref<5x!tpu.dma_semaphore, #tpu.memory_space<semaphore_mem>> -> memref<1x!tpu.dma_semaphore, #tpu.memory_space<semaphore_mem>>
    %dma_start3A_207 = tpu.memref_squeeze %dma_start3A_206 : memref<1x!tpu.dma_semaphore, #tpu.memory_space<semaphore_mem>> -> memref<!tpu.dma_semaphore, #tpu.memory_space<semaphore_mem>>
    tpu.enqueue_indirect_dma source(%dma_start3A_205 : memref<100000x128xf32, #tpu.memory_space<hbm>>) target(%dma_start3A_199 : memref<128x128xf32, #tpu.memory_space<vmem>>) offsets(%dma_start3A_202 : memref<128xi32, #tpu.memory_space<vmem>>) semaphore(%dma_start3A_207 : memref<!tpu.dma_semaphore, #tpu.memory_space<semaphore_mem>>)
    %dma_wait3A_208 = arith.constant 3 : i32
    %dma_wait3A_209 = arith.constant 3 : i32
    %dma_wait3A_210 = arith.constant 3 : i32
    %dma_wait3A_211 = arith.constant 0 : i32
    %dma_wait3A_212 = arith.constant 0 : i32
    %dma_wait3A_213 = tpu.memref_slice %arg6[%dma_wait3A_209, %dma_wait3A_211, %dma_wait3A_212] : memref<5x128x128xf32, #tpu.memory_space<vmem>> -> memref<1x128x128xf32, #tpu.memory_space<vmem>>
    %dma_wait3A_214 = tpu.memref_squeeze %dma_wait3A_213 : memref<1x128x128xf32, #tpu.memory_space<vmem>> -> memref<128x128xf32, #tpu.memory_space<vmem>>
    %dma_wait3A_215 = arith.constant 0 : i32
    %dma_wait3A_216 = tpu.memref_slice %arg5[%dma_wait3A_208, %dma_wait3A_215] : memref<50x128xi32, #tpu.memory_space<vmem>> -> memref<1x128xi32, #tpu.memory_space<vmem>>
    %dma_wait3A_217 = tpu.memref_squeeze %dma_wait3A_216 : memref<1x128xi32, #tpu.memory_space<vmem>> -> memref<128xi32, #tpu.memory_space<vmem>>
    %dma_wait3A_218 = arith.constant 0 : i32
    %dma_wait3A_219 = arith.constant 0 : i32
    %dma_wait3A_220 = tpu.memref_slice %arg3[%dma_wait3A_218, %dma_wait3A_219] : memref<100000x128xf32, #tpu.memory_space<hbm>> -> memref<100000x128xf32, #tpu.memory_space<hbm>>
    %dma_wait3A_221 = tpu.memref_slice %arg7[%dma_wait3A_210] : memref<5x!tpu.dma_semaphore, #tpu.memory_space<semaphore_mem>> -> memref<1x!tpu.dma_semaphore, #tpu.memory_space<semaphore_mem>>
    %dma_wait3A_222 = tpu.memref_squeeze %dma_wait3A_221 : memref<1x!tpu.dma_semaphore, #tpu.memory_space<semaphore_mem>> -> memref<!tpu.dma_semaphore, #tpu.memory_space<semaphore_mem>>
    tpu.wait_indirect_dma semaphore(%dma_wait3A_222 : memref<!tpu.dma_semaphore, #tpu.memory_space<semaphore_mem>>) src(%dma_wait3A_220 : memref<100000x128xf32, #tpu.memory_space<hbm>>) dst(%dma_wait3A_214 : memref<128x128xf32, #tpu.memory_space<vmem>>)
    %add3A_223 = arith.constant 384 : i32
    %add3A_224 = arith.addi %mul3A_2, %add3A_223 : i32
    %dma_start3A_225 = arith.constant 3 : i32
    %dma_start3A_226 = arith.constant 3 : i32
    %dma_start3A_227 = arith.constant 0 : i32
    %dma_start3A_228 = arith.constant 0 : i32
    %dma_start3A_229 = tpu.memref_slice %arg6[%dma_start3A_225, %dma_start3A_227, %dma_start3A_228] : memref<5x128x128xf32, #tpu.memory_space<vmem>> -> memref<1x128x128xf32, #tpu.memory_space<vmem>>
    %dma_start3A_230 = tpu.memref_squeeze %dma_start3A_229 : memref<1x128x128xf32, #tpu.memory_space<vmem>> -> memref<128x128xf32, #tpu.memory_space<vmem>>
    %dma_start3A_231 = arith.constant 0 : i32
    %dma_start3A_232 = tpu.memref_slice %arg4[%add3A_224, %dma_start3A_231] : memref<204800x128xf32, #tpu.memory_space<hbm>> -> memref<128x128xf32, #tpu.memory_space<hbm>>
    %dma_start3A_233 = tpu.memref_slice %arg8[%dma_start3A_226] : memref<5x!tpu.dma_semaphore, #tpu.memory_space<semaphore_mem>> -> memref<1x!tpu.dma_semaphore, #tpu.memory_space<semaphore_mem>>
    %dma_start3A_234 = tpu.memref_squeeze %dma_start3A_233 : memref<1x!tpu.dma_semaphore, #tpu.memory_space<semaphore_mem>> -> memref<!tpu.dma_semaphore, #tpu.memory_space<semaphore_mem>>
    %dma_start3A_235 = arith.constant 0 : i32
    %dma_start3A_236 = tpu.memref_slice %arg4[%add3A_224, %dma_start3A_235] : memref<204800x128xf32, #tpu.memory_space<hbm>> -> memref<128x128xf32, #tpu.memory_space<hbm>>
    %dma_start3A_237 = arith.constant 0 : i32
    %dma_start3A_238 = arith.constant 0 : i32
    %dma_start3A_239 = tpu.memref_slice %arg6[%dma_start3A_225, %dma_start3A_237, %dma_start3A_238] : memref<5x128x128xf32, #tpu.memory_space<vmem>> -> memref<1x128x128xf32, #tpu.memory_space<vmem>>
    %dma_start3A_240 = tpu.memref_squeeze %dma_start3A_239 : memref<1x128x128xf32, #tpu.memory_space<vmem>> -> memref<128x128xf32, #tpu.memory_space<vmem>>
    tpu.enqueue_dma source(%dma_start3A_240 : memref<128x128xf32, #tpu.memory_space<vmem>>) target(%dma_start3A_236 : memref<128x128xf32, #tpu.memory_space<hbm>>) target_semaphore(%dma_start3A_234 : memref<!tpu.dma_semaphore, #tpu.memory_space<semaphore_mem>>)
    %add3A_241 = arith.constant 128 : i32
    %add3A_242 = arith.addi %mul3A_2, %add3A_241 : i32
    %dma_wait3A_243 = arith.constant 1 : i32
    %dma_wait3A_244 = arith.constant 1 : i32
    %dma_wait3A_245 = arith.constant 0 : i32
    %dma_wait3A_246 = arith.constant 0 : i32
    %dma_wait3A_247 = tpu.memref_slice %arg6[%dma_wait3A_243, %dma_wait3A_245, %dma_wait3A_246] : memref<5x128x128xf32, #tpu.memory_space<vmem>> -> memref<1x128x128xf32, #tpu.memory_space<vmem>>
    %dma_wait3A_248 = tpu.memref_squeeze %dma_wait3A_247 : memref<1x128x128xf32, #tpu.memory_space<vmem>> -> memref<128x128xf32, #tpu.memory_space<vmem>>
    %dma_wait3A_249 = arith.constant 0 : i32
    %dma_wait3A_250 = tpu.memref_slice %arg4[%add3A_242, %dma_wait3A_249] : memref<204800x128xf32, #tpu.memory_space<hbm>> -> memref<128x128xf32, #tpu.memory_space<hbm>>
    %dma_wait3A_251 = tpu.memref_slice %arg8[%dma_wait3A_244] : memref<5x!tpu.dma_semaphore, #tpu.memory_space<semaphore_mem>> -> memref<1x!tpu.dma_semaphore, #tpu.memory_space<semaphore_mem>>
    %dma_wait3A_252 = tpu.memref_squeeze %dma_wait3A_251 : memref<1x!tpu.dma_semaphore, #tpu.memory_space<semaphore_mem>> -> memref<!tpu.dma_semaphore, #tpu.memory_space<semaphore_mem>>
    %dma_wait3A_253 = arith.constant 0 : i32
    %dma_wait3A_254 = tpu.memref_slice %arg4[%add3A_242, %dma_wait3A_253] : memref<204800x128xf32, #tpu.memory_space<hbm>> -> memref<128x128xf32, #tpu.memory_space<hbm>>
    %dma_wait3A_255 = arith.constant 0 : i32
    %dma_wait3A_256 = arith.constant 0 : i32
    %dma_wait3A_257 = tpu.memref_slice %arg6[%dma_wait3A_243, %dma_wait3A_255, %dma_wait3A_256] : memref<5x128x128xf32, #tpu.memory_space<vmem>> -> memref<1x128x128xf32, #tpu.memory_space<vmem>>
    %dma_wait3A_258 = tpu.memref_squeeze %dma_wait3A_257 : memref<1x128x128xf32, #tpu.memory_space<vmem>> -> memref<128x128xf32, #tpu.memory_space<vmem>>
    tpu.wait_dma2 semaphore(%dma_wait3A_252 : memref<!tpu.dma_semaphore, #tpu.memory_space<semaphore_mem>>) src(%dma_wait3A_258 : memref<128x128xf32, #tpu.memory_space<vmem>>) dst(%dma_wait3A_254 : memref<128x128xf32, #tpu.memory_space<hbm>>)
    %dma_start3A_259 = arith.constant 6 : i32
    %dma_start3A_260 = arith.constant 1 : i32
    %dma_start3A_261 = arith.constant 1 : i32
    %dma_start3A_262 = arith.constant 0 : i32
    %dma_start3A_263 = arith.constant 0 : i32
    %dma_start3A_264 = tpu.memref_slice %arg6[%dma_start3A_260, %dma_start3A_262, %dma_start3A_263] : memref<5x128x128xf32, #tpu.memory_space<vmem>> -> memref<1x128x128xf32, #tpu.memory_space<vmem>>
    %dma_start3A_265 = tpu.memref_squeeze %dma_start3A_264 : memref<1x128x128xf32, #tpu.memory_space<vmem>> -> memref<128x128xf32, #tpu.memory_space<vmem>>
    %dma_start3A_266 = arith.constant 0 : i32
    %dma_start3A_267 = tpu.memref_slice %arg5[%dma_start3A_259, %dma_start3A_266] : memref<50x128xi32, #tpu.memory_space<vmem>> -> memref<1x128xi32, #tpu.memory_space<vmem>>
    %dma_start3A_268 = tpu.memref_squeeze %dma_start3A_267 : memref<1x128xi32, #tpu.memory_space<vmem>> -> memref<128xi32, #tpu.memory_space<vmem>>
    %dma_start3A_269 = arith.constant 0 : i32
    %dma_start3A_270 = arith.constant 0 : i32
    %dma_start3A_271 = tpu.memref_slice %arg3[%dma_start3A_269, %dma_start3A_270] : memref<100000x128xf32, #tpu.memory_space<hbm>> -> memref<100000x128xf32, #tpu.memory_space<hbm>>
    %dma_start3A_272 = tpu.memref_slice %arg7[%dma_start3A_261] : memref<5x!tpu.dma_semaphore, #tpu.memory_space<semaphore_mem>> -> memref<1x!tpu.dma_semaphore, #tpu.memory_space<semaphore_mem>>
    %dma_start3A_273 = tpu.memref_squeeze %dma_start3A_272 : memref<1x!tpu.dma_semaphore, #tpu.memory_space<semaphore_mem>> -> memref<!tpu.dma_semaphore, #tpu.memory_space<semaphore_mem>>
    tpu.enqueue_indirect_dma source(%dma_start3A_271 : memref<100000x128xf32, #tpu.memory_space<hbm>>) target(%dma_start3A_265 : memref<128x128xf32, #tpu.memory_space<vmem>>) offsets(%dma_start3A_268 : memref<128xi32, #tpu.memory_space<vmem>>) semaphore(%dma_start3A_273 : memref<!tpu.dma_semaphore, #tpu.memory_space<semaphore_mem>>)
    %dma_wait3A_274 = arith.constant 4 : i32
    %dma_wait3A_275 = arith.constant 4 : i32
    %dma_wait3A_276 = arith.constant 4 : i32
    %dma_wait3A_277 = arith.constant 0 : i32
    %dma_wait3A_278 = arith.constant 0 : i32
    %dma_wait3A_279 = tpu.memref_slice %arg6[%dma_wait3A_275, %dma_wait3A_277, %dma_wait3A_278] : memref<5x128x128xf32, #tpu.memory_space<vmem>> -> memref<1x128x128xf32, #tpu.memory_space<vmem>>
    %dma_wait3A_280 = tpu.memref_squeeze %dma_wait3A_279 : memref<1x128x128xf32, #tpu.memory_space<vmem>> -> memref<128x128xf32, #tpu.memory_space<vmem>>
    %dma_wait3A_281 = arith.constant 0 : i32
    %dma_wait3A_282 = tpu.memref_slice %arg5[%dma_wait3A_274, %dma_wait3A_281] : memref<50x128xi32, #tpu.memory_space<vmem>> -> memref<1x128xi32, #tpu.memory_space<vmem>>
    %dma_wait3A_283 = tpu.memref_squeeze %dma_wait3A_282 : memref<1x128xi32, #tpu.memory_space<vmem>> -> memref<128xi32, #tpu.memory_space<vmem>>
    %dma_wait3A_284 = arith.constant 0 : i32
    %dma_wait3A_285 = arith.constant 0 : i32
    %dma_wait3A_286 = tpu.memref_slice %arg3[%dma_wait3A_284, %dma_wait3A_285] : memref<100000x128xf32, #tpu.memory_space<hbm>> -> memref<100000x128xf32, #tpu.memory_space<hbm>>
    %dma_wait3A_287 = tpu.memref_slice %arg7[%dma_wait3A_276] : memref<5x!tpu.dma_semaphore, #tpu.memory_space<semaphore_mem>> -> memref<1x!tpu.dma_semaphore, #tpu.memory_space<semaphore_mem>>
    %dma_wait3A_288 = tpu.memref_squeeze %dma_wait3A_287 : memref<1x!tpu.dma_semaphore, #tpu.memory_space<semaphore_mem>> -> memref<!tpu.dma_semaphore, #tpu.memory_space<semaphore_mem>>
    tpu.wait_indirect_dma semaphore(%dma_wait3A_288 : memref<!tpu.dma_semaphore, #tpu.memory_space<semaphore_mem>>) src(%dma_wait3A_286 : memref<100000x128xf32, #tpu.memory_space<hbm>>) dst(%dma_wait3A_280 : memref<128x128xf32, #tpu.memory_space<vmem>>)
    %add3A_289 = arith.constant 512 : i32
    %add3A_290 = arith.addi %mul3A_2, %add3A_289 : i32
    %dma_start3A_291 = arith.constant 4 : i32
    %dma_start3A_292 = arith.constant 4 : i32
    %dma_start3A_293 = arith.constant 0 : i32
    %dma_start3A_294 = arith.constant 0 : i32
    %dma_start3A_295 = tpu.memref_slice %arg6[%dma_start3A_291, %dma_start3A_293, %dma_start3A_294] : memref<5x128x128xf32, #tpu.memory_space<vmem>> -> memref<1x128x128xf32, #tpu.memory_space<vmem>>
    %dma_start3A_296 = tpu.memref_squeeze %dma_start3A_295 : memref<1x128x128xf32, #tpu.memory_space<vmem>> -> memref<128x128xf32, #tpu.memory_space<vmem>>
    %dma_start3A_297 = arith.constant 0 : i32
    %dma_start3A_298 = tpu.memref_slice %arg4[%add3A_290, %dma_start3A_297] : memref<204800x128xf32, #tpu.memory_space<hbm>> -> memref<128x128xf32, #tpu.memory_space<hbm>>
    %dma_start3A_299 = tpu.memref_slice %arg8[%dma_start3A_292] : memref<5x!tpu.dma_semaphore, #tpu.memory_space<semaphore_mem>> -> memref<1x!tpu.dma_semaphore, #tpu.memory_space<semaphore_mem>>
    %dma_start3A_300 = tpu.memref_squeeze %dma_start3A_299 : memref<1x!tpu.dma_semaphore, #tpu.memory_space<semaphore_mem>> -> memref<!tpu.dma_semaphore, #tpu.memory_space<semaphore_mem>>
    %dma_start3A_301 = arith.constant 0 : i32
    %dma_start3A_302 = tpu.memref_slice %arg4[%add3A_290, %dma_start3A_301] : memref<204800x128xf32, #tpu.memory_space<hbm>> -> memref<128x128xf32, #tpu.memory_space<hbm>>
    %dma_start3A_303 = arith.constant 0 : i32
    %dma_start3A_304 = arith.constant 0 : i32
    %dma_start3A_305 = tpu.memref_slice %arg6[%dma_start3A_291, %dma_start3A_303, %dma_start3A_304] : memref<5x128x128xf32, #tpu.memory_space<vmem>> -> memref<1x128x128xf32, #tpu.memory_space<vmem>>
    %dma_start3A_306 = tpu.memref_squeeze %dma_start3A_305 : memref<1x128x128xf32, #tpu.memory_space<vmem>> -> memref<128x128xf32, #tpu.memory_space<vmem>>
    tpu.enqueue_dma source(%dma_start3A_306 : memref<128x128xf32, #tpu.memory_space<vmem>>) target(%dma_start3A_302 : memref<128x128xf32, #tpu.memory_space<hbm>>) target_semaphore(%dma_start3A_300 : memref<!tpu.dma_semaphore, #tpu.memory_space<semaphore_mem>>)
    %add3A_307 = arith.constant 256 : i32
    %add3A_308 = arith.addi %mul3A_2, %add3A_307 : i32
    %dma_wait3A_309 = arith.constant 2 : i32
    %dma_wait3A_310 = arith.constant 2 : i32
    %dma_wait3A_311 = arith.constant 0 : i32
    %dma_wait3A_312 = arith.constant 0 : i32
    %dma_wait3A_313 = tpu.memref_slice %arg6[%dma_wait3A_309, %dma_wait3A_311, %dma_wait3A_312] : memref<5x128x128xf32, #tpu.memory_space<vmem>> -> memref<1x128x128xf32, #tpu.memory_space<vmem>>
    %dma_wait3A_314 = tpu.memref_squeeze %dma_wait3A_313 : memref<1x128x128xf32, #tpu.memory_space<vmem>> -> memref<128x128xf32, #tpu.memory_space<vmem>>
    %dma_wait3A_315 = arith.constant 0 : i32
    %dma_wait3A_316 = tpu.memref_slice %arg4[%add3A_308, %dma_wait3A_315] : memref<204800x128xf32, #tpu.memory_space<hbm>> -> memref<128x128xf32, #tpu.memory_space<hbm>>
    %dma_wait3A_317 = tpu.memref_slice %arg8[%dma_wait3A_310] : memref<5x!tpu.dma_semaphore, #tpu.memory_space<semaphore_mem>> -> memref<1x!tpu.dma_semaphore, #tpu.memory_space<semaphore_mem>>
    %dma_wait3A_318 = tpu.memref_squeeze %dma_wait3A_317 : memref<1x!tpu.dma_semaphore, #tpu.memory_space<semaphore_mem>> -> memref<!tpu.dma_semaphore, #tpu.memory_space<semaphore_mem>>
    %dma_wait3A_319 = arith.constant 0 : i32
    %dma_wait3A_320 = tpu.memref_slice %arg4[%add3A_308, %dma_wait3A_319] : memref<204800x128xf32, #tpu.memory_space<hbm>> -> memref<128x128xf32, #tpu.memory_space<hbm>>
    %dma_wait3A_321 = arith.constant 0 : i32
    %dma_wait3A_322 = arith.constant 0 : i32
    %dma_wait3A_323 = tpu.memref_slice %arg6[%dma_wait3A_309, %dma_wait3A_321, %dma_wait3A_322] : memref<5x128x128xf32, #tpu.memory_space<vmem>> -> memref<1x128x128xf32, #tpu.memory_space<vmem>>
    %dma_wait3A_324 = tpu.memref_squeeze %dma_wait3A_323 : memref<1x128x128xf32, #tpu.memory_space<vmem>> -> memref<128x128xf32, #tpu.memory_space<vmem>>
    tpu.wait_dma2 semaphore(%dma_wait3A_318 : memref<!tpu.dma_semaphore, #tpu.memory_space<semaphore_mem>>) src(%dma_wait3A_324 : memref<128x128xf32, #tpu.memory_space<vmem>>) dst(%dma_wait3A_320 : memref<128x128xf32, #tpu.memory_space<hbm>>)
    %dma_start3A_325 = arith.constant 7 : i32
    %dma_start3A_326 = arith.constant 2 : i32
    %dma_start3A_327 = arith.constant 2 : i32
    %dma_start3A_328 = arith.constant 0 : i32
    %dma_start3A_329 = arith.constant 0 : i32
    %dma_start3A_330 = tpu.memref_slice %arg6[%dma_start3A_326, %dma_start3A_328, %dma_start3A_329] : memref<5x128x128xf32, #tpu.memory_space<vmem>> -> memref<1x128x128xf32, #tpu.memory_space<vmem>>
    %dma_start3A_331 = tpu.memref_squeeze %dma_start3A_330 : memref<1x128x128xf32, #tpu.memory_space<vmem>> -> memref<128x128xf32, #tpu.memory_space<vmem>>
    %dma_start3A_332 = arith.constant 0 : i32
    %dma_start3A_333 = tpu.memref_slice %arg5[%dma_start3A_325, %dma_start3A_332] : memref<50x128xi32, #tpu.memory_space<vmem>> -> memref<1x128xi32, #tpu.memory_space<vmem>>
    %dma_start3A_334 = tpu.memref_squeeze %dma_start3A_333 : memref<1x128xi32, #tpu.memory_space<vmem>> -> memref<128xi32, #tpu.memory_space<vmem>>
    %dma_start3A_335 = arith.constant 0 : i32
    %dma_start3A_336 = arith.constant 0 : i32
    %dma_start3A_337 = tpu.memref_slice %arg3[%dma_start3A_335, %dma_start3A_336] : memref<100000x128xf32, #tpu.memory_space<hbm>> -> memref<100000x128xf32, #tpu.memory_space<hbm>>
    %dma_start3A_338 = tpu.memref_slice %arg7[%dma_start3A_327] : memref<5x!tpu.dma_semaphore, #tpu.memory_space<semaphore_mem>> -> memref<1x!tpu.dma_semaphore, #tpu.memory_space<semaphore_mem>>
    %dma_start3A_339 = tpu.memref_squeeze %dma_start3A_338 : memref<1x!tpu.dma_semaphore, #tpu.memory_space<semaphore_mem>> -> memref<!tpu.dma_semaphore, #tpu.memory_space<semaphore_mem>>
    tpu.enqueue_indirect_dma source(%dma_start3A_337 : memref<100000x128xf32, #tpu.memory_space<hbm>>) target(%dma_start3A_331 : memref<128x128xf32, #tpu.memory_space<vmem>>) offsets(%dma_start3A_334 : memref<128xi32, #tpu.memory_space<vmem>>) semaphore(%dma_start3A_339 : memref<!tpu.dma_semaphore, #tpu.memory_space<semaphore_mem>>)
    %scan3A = arith.constant 0 : i32
    %scan3A_340 = arith.constant 1 : i32
    %scan3A_341 = arith.constant 8 : i32
    %scan3A_342 = arith.addi %scan3A_340, %scan3A_341 : i32
    %scan3A_343 = arith.constant 1 : i32
    scf.for %scan3A_666 = %scan3A_340 to %scan3A_342 step %scan3A_343  : i32 {
      %mul3A_667 = arith.constant 5 : i32
      %mul3A_668 = arith.muli %scan3A_666, %mul3A_667 : i32
      %add3A_669 = arith.constant 0 : i32
      %add3A_670 = arith.addi %mul3A_668, %add3A_669 : i32
      %dma_wait3A_671 = arith.constant 0 : i32
      %dma_wait3A_672 = arith.constant 0 : i32
      %dma_wait3A_673 = arith.constant 0 : i32
      %dma_wait3A_674 = arith.constant 0 : i32
      %dma_wait3A_675 = tpu.memref_slice %arg6[%dma_wait3A_671, %dma_wait3A_673, %dma_wait3A_674] : memref<5x128x128xf32, #tpu.memory_space<vmem>> -> memref<1x128x128xf32, #tpu.memory_space<vmem>>
      %dma_wait3A_676 = tpu.memref_squeeze %dma_wait3A_675 : memref<1x128x128xf32, #tpu.memory_space<vmem>> -> memref<128x128xf32, #tpu.memory_space<vmem>>
      %dma_wait3A_677 = arith.constant 0 : i32
      %dma_wait3A_678 = tpu.memref_slice %arg5[%add3A_670, %dma_wait3A_677] : memref<50x128xi32, #tpu.memory_space<vmem>> -> memref<1x128xi32, #tpu.memory_space<vmem>>
      %dma_wait3A_679 = tpu.memref_squeeze %dma_wait3A_678 : memref<1x128xi32, #tpu.memory_space<vmem>> -> memref<128xi32, #tpu.memory_space<vmem>>
      %dma_wait3A_680 = arith.constant 0 : i32
      %dma_wait3A_681 = arith.constant 0 : i32
      %dma_wait3A_682 = tpu.memref_slice %arg3[%dma_wait3A_680, %dma_wait3A_681] : memref<100000x128xf32, #tpu.memory_space<hbm>> -> memref<100000x128xf32, #tpu.memory_space<hbm>>
      %dma_wait3A_683 = tpu.memref_slice %arg7[%dma_wait3A_672] : memref<5x!tpu.dma_semaphore, #tpu.memory_space<semaphore_mem>> -> memref<1x!tpu.dma_semaphore, #tpu.memory_space<semaphore_mem>>
      %dma_wait3A_684 = tpu.memref_squeeze %dma_wait3A_683 : memref<1x!tpu.dma_semaphore, #tpu.memory_space<semaphore_mem>> -> memref<!tpu.dma_semaphore, #tpu.memory_space<semaphore_mem>>
      tpu.wait_indirect_dma semaphore(%dma_wait3A_684 : memref<!tpu.dma_semaphore, #tpu.memory_space<semaphore_mem>>) src(%dma_wait3A_682 : memref<100000x128xf32, #tpu.memory_space<hbm>>) dst(%dma_wait3A_676 : memref<128x128xf32, #tpu.memory_space<vmem>>)
      %mul3A_685 = arith.constant 128 : i32
      %mul3A_686 = arith.muli %add3A_670, %mul3A_685 : i32
      %add3A_687 = arith.addi %mul3A_2, %mul3A_686 : i32
      %dma_start3A_688 = arith.constant 0 : i32
      %dma_start3A_689 = arith.constant 0 : i32
      %dma_start3A_690 = arith.constant 0 : i32
      %dma_start3A_691 = arith.constant 0 : i32
      %dma_start3A_692 = tpu.memref_slice %arg6[%dma_start3A_688, %dma_start3A_690, %dma_start3A_691] : memref<5x128x128xf32, #tpu.memory_space<vmem>> -> memref<1x128x128xf32, #tpu.memory_space<vmem>>
      %dma_start3A_693 = tpu.memref_squeeze %dma_start3A_692 : memref<1x128x128xf32, #tpu.memory_space<vmem>> -> memref<128x128xf32, #tpu.memory_space<vmem>>
      %dma_start3A_694 = arith.constant 0 : i32
      %dma_start3A_695 = tpu.memref_slice %arg4[%add3A_687, %dma_start3A_694] : memref<204800x128xf32, #tpu.memory_space<hbm>> -> memref<128x128xf32, #tpu.memory_space<hbm>>
      %dma_start3A_696 = tpu.memref_slice %arg8[%dma_start3A_689] : memref<5x!tpu.dma_semaphore, #tpu.memory_space<semaphore_mem>> -> memref<1x!tpu.dma_semaphore, #tpu.memory_space<semaphore_mem>>
      %dma_start3A_697 = tpu.memref_squeeze %dma_start3A_696 : memref<1x!tpu.dma_semaphore, #tpu.memory_space<semaphore_mem>> -> memref<!tpu.dma_semaphore, #tpu.memory_space<semaphore_mem>>
      %dma_start3A_698 = arith.constant 0 : i32
      %dma_start3A_699 = tpu.memref_slice %arg4[%add3A_687, %dma_start3A_698] : memref<204800x128xf32, #tpu.memory_space<hbm>> -> memref<128x128xf32, #tpu.memory_space<hbm>>
      %dma_start3A_700 = arith.constant 0 : i32
      %dma_start3A_701 = arith.constant 0 : i32
      %dma_start3A_702 = tpu.memref_slice %arg6[%dma_start3A_688, %dma_start3A_700, %dma_start3A_701] : memref<5x128x128xf32, #tpu.memory_space<vmem>> -> memref<1x128x128xf32, #tpu.memory_space<vmem>>
      %dma_start3A_703 = tpu.memref_squeeze %dma_start3A_702 : memref<1x128x128xf32, #tpu.memory_space<vmem>> -> memref<128x128xf32, #tpu.memory_space<vmem>>
      tpu.enqueue_dma source(%dma_start3A_703 : memref<128x128xf32, #tpu.memory_space<vmem>>) target(%dma_start3A_699 : memref<128x128xf32, #tpu.memory_space<hbm>>) target_semaphore(%dma_start3A_697 : memref<!tpu.dma_semaphore, #tpu.memory_space<semaphore_mem>>)
      %add3A_704 = arith.constant 3 : i32
      %add3A_705 = arith.addi %add3A_670, %add3A_704 : i32
      %sub3A = arith.constant 5 : i32
      %sub3A_706 = arith.subi %add3A_705, %sub3A : i32
      %mul3A_707 = arith.constant 128 : i32
      %mul3A_708 = arith.muli %sub3A_706, %mul3A_707 : i32
      %add3A_709 = arith.addi %mul3A_2, %mul3A_708 : i32
      %dma_wait3A_710 = arith.constant 3 : i32
      %dma_wait3A_711 = arith.constant 3 : i32
      %dma_wait3A_712 = arith.constant 0 : i32
      %dma_wait3A_713 = arith.constant 0 : i32
      %dma_wait3A_714 = tpu.memref_slice %arg6[%dma_wait3A_710, %dma_wait3A_712, %dma_wait3A_713] : memref<5x128x128xf32, #tpu.memory_space<vmem>> -> memref<1x128x128xf32, #tpu.memory_space<vmem>>
      %dma_wait3A_715 = tpu.memref_squeeze %dma_wait3A_714 : memref<1x128x128xf32, #tpu.memory_space<vmem>> -> memref<128x128xf32, #tpu.memory_space<vmem>>
      %dma_wait3A_716 = arith.constant 0 : i32
      %dma_wait3A_717 = tpu.memref_slice %arg4[%add3A_709, %dma_wait3A_716] : memref<204800x128xf32, #tpu.memory_space<hbm>> -> memref<128x128xf32, #tpu.memory_space<hbm>>
      %dma_wait3A_718 = tpu.memref_slice %arg8[%dma_wait3A_711] : memref<5x!tpu.dma_semaphore, #tpu.memory_space<semaphore_mem>> -> memref<1x!tpu.dma_semaphore, #tpu.memory_space<semaphore_mem>>
      %dma_wait3A_719 = tpu.memref_squeeze %dma_wait3A_718 : memref<1x!tpu.dma_semaphore, #tpu.memory_space<semaphore_mem>> -> memref<!tpu.dma_semaphore, #tpu.memory_space<semaphore_mem>>
      %dma_wait3A_720 = arith.constant 0 : i32
      %dma_wait3A_721 = tpu.memref_slice %arg4[%add3A_709, %dma_wait3A_720] : memref<204800x128xf32, #tpu.memory_space<hbm>> -> memref<128x128xf32, #tpu.memory_space<hbm>>
      %dma_wait3A_722 = arith.constant 0 : i32
      %dma_wait3A_723 = arith.constant 0 : i32
      %dma_wait3A_724 = tpu.memref_slice %arg6[%dma_wait3A_710, %dma_wait3A_722, %dma_wait3A_723] : memref<5x128x128xf32, #tpu.memory_space<vmem>> -> memref<1x128x128xf32, #tpu.memory_space<vmem>>
      %dma_wait3A_725 = tpu.memref_squeeze %dma_wait3A_724 : memref<1x128x128xf32, #tpu.memory_space<vmem>> -> memref<128x128xf32, #tpu.memory_space<vmem>>
      tpu.wait_dma2 semaphore(%dma_wait3A_719 : memref<!tpu.dma_semaphore, #tpu.memory_space<semaphore_mem>>) src(%dma_wait3A_725 : memref<128x128xf32, #tpu.memory_space<vmem>>) dst(%dma_wait3A_721 : memref<128x128xf32, #tpu.memory_space<hbm>>)
      %dma_start3A_726 = arith.constant 3 : i32
      %dma_start3A_727 = arith.constant 3 : i32
      %dma_start3A_728 = arith.constant 0 : i32
      %dma_start3A_729 = arith.constant 0 : i32
      %dma_start3A_730 = tpu.memref_slice %arg6[%dma_start3A_726, %dma_start3A_728, %dma_start3A_729] : memref<5x128x128xf32, #tpu.memory_space<vmem>> -> memref<1x128x128xf32, #tpu.memory_space<vmem>>
      %dma_start3A_731 = tpu.memref_squeeze %dma_start3A_730 : memref<1x128x128xf32, #tpu.memory_space<vmem>> -> memref<128x128xf32, #tpu.memory_space<vmem>>
      %dma_start3A_732 = arith.constant 0 : i32
      %dma_start3A_733 = tpu.memref_slice %arg5[%add3A_705, %dma_start3A_732] : memref<50x128xi32, #tpu.memory_space<vmem>> -> memref<1x128xi32, #tpu.memory_space<vmem>>
      %dma_start3A_734 = tpu.memref_squeeze %dma_start3A_733 : memref<1x128xi32, #tpu.memory_space<vmem>> -> memref<128xi32, #tpu.memory_space<vmem>>
      %dma_start3A_735 = arith.constant 0 : i32
      %dma_start3A_736 = arith.constant 0 : i32
      %dma_start3A_737 = tpu.memref_slice %arg3[%dma_start3A_735, %dma_start3A_736] : memref<100000x128xf32, #tpu.memory_space<hbm>> -> memref<100000x128xf32, #tpu.memory_space<hbm>>
      %dma_start3A_738 = tpu.memref_slice %arg7[%dma_start3A_727] : memref<5x!tpu.dma_semaphore, #tpu.memory_space<semaphore_mem>> -> memref<1x!tpu.dma_semaphore, #tpu.memory_space<semaphore_mem>>
      %dma_start3A_739 = tpu.memref_squeeze %dma_start3A_738 : memref<1x!tpu.dma_semaphore, #tpu.memory_space<semaphore_mem>> -> memref<!tpu.dma_semaphore, #tpu.memory_space<semaphore_mem>>
      tpu.enqueue_indirect_dma source(%dma_start3A_737 : memref<100000x128xf32, #tpu.memory_space<hbm>>) target(%dma_start3A_731 : memref<128x128xf32, #tpu.memory_space<vmem>>) offsets(%dma_start3A_734 : memref<128xi32, #tpu.memory_space<vmem>>) semaphore(%dma_start3A_739 : memref<!tpu.dma_semaphore, #tpu.memory_space<semaphore_mem>>)
      %add3A_740 = arith.constant 1 : i32
      %add3A_741 = arith.addi %mul3A_668, %add3A_740 : i32
      %dma_wait3A_742 = arith.constant 1 : i32
      %dma_wait3A_743 = arith.constant 1 : i32
      %dma_wait3A_744 = arith.constant 0 : i32
      %dma_wait3A_745 = arith.constant 0 : i32
      %dma_wait3A_746 = tpu.memref_slice %arg6[%dma_wait3A_742, %dma_wait3A_744, %dma_wait3A_745] : memref<5x128x128xf32, #tpu.memory_space<vmem>> -> memref<1x128x128xf32, #tpu.memory_space<vmem>>
      %dma_wait3A_747 = tpu.memref_squeeze %dma_wait3A_746 : memref<1x128x128xf32, #tpu.memory_space<vmem>> -> memref<128x128xf32, #tpu.memory_space<vmem>>
      %dma_wait3A_748 = arith.constant 0 : i32
      %dma_wait3A_749 = tpu.memref_slice %arg5[%add3A_741, %dma_wait3A_748] : memref<50x128xi32, #tpu.memory_space<vmem>> -> memref<1x128xi32, #tpu.memory_space<vmem>>
      %dma_wait3A_750 = tpu.memref_squeeze %dma_wait3A_749 : memref<1x128xi32, #tpu.memory_space<vmem>> -> memref<128xi32, #tpu.memory_space<vmem>>
      %dma_wait3A_751 = arith.constant 0 : i32
      %dma_wait3A_752 = arith.constant 0 : i32
      %dma_wait3A_753 = tpu.memref_slice %arg3[%dma_wait3A_751, %dma_wait3A_752] : memref<100000x128xf32, #tpu.memory_space<hbm>> -> memref<100000x128xf32, #tpu.memory_space<hbm>>
      %dma_wait3A_754 = tpu.memref_slice %arg7[%dma_wait3A_743] : memref<5x!tpu.dma_semaphore, #tpu.memory_space<semaphore_mem>> -> memref<1x!tpu.dma_semaphore, #tpu.memory_space<semaphore_mem>>
      %dma_wait3A_755 = tpu.memref_squeeze %dma_wait3A_754 : memref<1x!tpu.dma_semaphore, #tpu.memory_space<semaphore_mem>> -> memref<!tpu.dma_semaphore, #tpu.memory_space<semaphore_mem>>
      tpu.wait_indirect_dma semaphore(%dma_wait3A_755 : memref<!tpu.dma_semaphore, #tpu.memory_space<semaphore_mem>>) src(%dma_wait3A_753 : memref<100000x128xf32, #tpu.memory_space<hbm>>) dst(%dma_wait3A_747 : memref<128x128xf32, #tpu.memory_space<vmem>>)
      %mul3A_756 = arith.constant 128 : i32
      %mul3A_757 = arith.muli %add3A_741, %mul3A_756 : i32
      %add3A_758 = arith.addi %mul3A_2, %mul3A_757 : i32
      %dma_start3A_759 = arith.constant 1 : i32
      %dma_start3A_760 = arith.constant 1 : i32
      %dma_start3A_761 = arith.constant 0 : i32
      %dma_start3A_762 = arith.constant 0 : i32
      %dma_start3A_763 = tpu.memref_slice %arg6[%dma_start3A_759, %dma_start3A_761, %dma_start3A_762] : memref<5x128x128xf32, #tpu.memory_space<vmem>> -> memref<1x128x128xf32, #tpu.memory_space<vmem>>
      %dma_start3A_764 = tpu.memref_squeeze %dma_start3A_763 : memref<1x128x128xf32, #tpu.memory_space<vmem>> -> memref<128x128xf32, #tpu.memory_space<vmem>>
      %dma_start3A_765 = arith.constant 0 : i32
      %dma_start3A_766 = tpu.memref_slice %arg4[%add3A_758, %dma_start3A_765] : memref<204800x128xf32, #tpu.memory_space<hbm>> -> memref<128x128xf32, #tpu.memory_space<hbm>>
      %dma_start3A_767 = tpu.memref_slice %arg8[%dma_start3A_760] : memref<5x!tpu.dma_semaphore, #tpu.memory_space<semaphore_mem>> -> memref<1x!tpu.dma_semaphore, #tpu.memory_space<semaphore_mem>>
      %dma_start3A_768 = tpu.memref_squeeze %dma_start3A_767 : memref<1x!tpu.dma_semaphore, #tpu.memory_space<semaphore_mem>> -> memref<!tpu.dma_semaphore, #tpu.memory_space<semaphore_mem>>
      %dma_start3A_769 = arith.constant 0 : i32
      %dma_start3A_770 = tpu.memref_slice %arg4[%add3A_758, %dma_start3A_769] : memref<204800x128xf32, #tpu.memory_space<hbm>> -> memref<128x128xf32, #tpu.memory_space<hbm>>
      %dma_start3A_771 = arith.constant 0 : i32
      %dma_start3A_772 = arith.constant 0 : i32
      %dma_start3A_773 = tpu.memref_slice %arg6[%dma_start3A_759, %dma_start3A_771, %dma_start3A_772] : memref<5x128x128xf32, #tpu.memory_space<vmem>> -> memref<1x128x128xf32, #tpu.memory_space<vmem>>
      %dma_start3A_774 = tpu.memref_squeeze %dma_start3A_773 : memref<1x128x128xf32, #tpu.memory_space<vmem>> -> memref<128x128xf32, #tpu.memory_space<vmem>>
      tpu.enqueue_dma source(%dma_start3A_774 : memref<128x128xf32, #tpu.memory_space<vmem>>) target(%dma_start3A_770 : memref<128x128xf32, #tpu.memory_space<hbm>>) target_semaphore(%dma_start3A_768 : memref<!tpu.dma_semaphore, #tpu.memory_space<semaphore_mem>>)
      %add3A_775 = arith.constant 3 : i32
      %add3A_776 = arith.addi %add3A_741, %add3A_775 : i32
      %sub3A_777 = arith.constant 5 : i32
      %sub3A_778 = arith.subi %add3A_776, %sub3A_777 : i32
      %mul3A_779 = arith.constant 128 : i32
      %mul3A_780 = arith.muli %sub3A_778, %mul3A_779 : i32
      %add3A_781 = arith.addi %mul3A_2, %mul3A_780 : i32
      %dma_wait3A_782 = arith.constant 4 : i32
      %dma_wait3A_783 = arith.constant 4 : i32
      %dma_wait3A_784 = arith.constant 0 : i32
      %dma_wait3A_785 = arith.constant 0 : i32
      %dma_wait3A_786 = tpu.memref_slice %arg6[%dma_wait3A_782, %dma_wait3A_784, %dma_wait3A_785] : memref<5x128x128xf32, #tpu.memory_space<vmem>> -> memref<1x128x128xf32, #tpu.memory_space<vmem>>
      %dma_wait3A_787 = tpu.memref_squeeze %dma_wait3A_786 : memref<1x128x128xf32, #tpu.memory_space<vmem>> -> memref<128x128xf32, #tpu.memory_space<vmem>>
      %dma_wait3A_788 = arith.constant 0 : i32
      %dma_wait3A_789 = tpu.memref_slice %arg4[%add3A_781, %dma_wait3A_788] : memref<204800x128xf32, #tpu.memory_space<hbm>> -> memref<128x128xf32, #tpu.memory_space<hbm>>
      %dma_wait3A_790 = tpu.memref_slice %arg8[%dma_wait3A_783] : memref<5x!tpu.dma_semaphore, #tpu.memory_space<semaphore_mem>> -> memref<1x!tpu.dma_semaphore, #tpu.memory_space<semaphore_mem>>
      %dma_wait3A_791 = tpu.memref_squeeze %dma_wait3A_790 : memref<1x!tpu.dma_semaphore, #tpu.memory_space<semaphore_mem>> -> memref<!tpu.dma_semaphore, #tpu.memory_space<semaphore_mem>>
      %dma_wait3A_792 = arith.constant 0 : i32
      %dma_wait3A_793 = tpu.memref_slice %arg4[%add3A_781, %dma_wait3A_792] : memref<204800x128xf32, #tpu.memory_space<hbm>> -> memref<128x128xf32, #tpu.memory_space<hbm>>
      %dma_wait3A_794 = arith.constant 0 : i32
      %dma_wait3A_795 = arith.constant 0 : i32
      %dma_wait3A_796 = tpu.memref_slice %arg6[%dma_wait3A_782, %dma_wait3A_794, %dma_wait3A_795] : memref<5x128x128xf32, #tpu.memory_space<vmem>> -> memref<1x128x128xf32, #tpu.memory_space<vmem>>
      %dma_wait3A_797 = tpu.memref_squeeze %dma_wait3A_796 : memref<1x128x128xf32, #tpu.memory_space<vmem>> -> memref<128x128xf32, #tpu.memory_space<vmem>>
      tpu.wait_dma2 semaphore(%dma_wait3A_791 : memref<!tpu.dma_semaphore, #tpu.memory_space<semaphore_mem>>) src(%dma_wait3A_797 : memref<128x128xf32, #tpu.memory_space<vmem>>) dst(%dma_wait3A_793 : memref<128x128xf32, #tpu.memory_space<hbm>>)
      %dma_start3A_798 = arith.constant 4 : i32
      %dma_start3A_799 = arith.constant 4 : i32
      %dma_start3A_800 = arith.constant 0 : i32
      %dma_start3A_801 = arith.constant 0 : i32
      %dma_start3A_802 = tpu.memref_slice %arg6[%dma_start3A_798, %dma_start3A_800, %dma_start3A_801] : memref<5x128x128xf32, #tpu.memory_space<vmem>> -> memref<1x128x128xf32, #tpu.memory_space<vmem>>
      %dma_start3A_803 = tpu.memref_squeeze %dma_start3A_802 : memref<1x128x128xf32, #tpu.memory_space<vmem>> -> memref<128x128xf32, #tpu.memory_space<vmem>>
      %dma_start3A_804 = arith.constant 0 : i32
      %dma_start3A_805 = tpu.memref_slice %arg5[%add3A_776, %dma_start3A_804] : memref<50x128xi32, #tpu.memory_space<vmem>> -> memref<1x128xi32, #tpu.memory_space<vmem>>
      %dma_start3A_806 = tpu.memref_squeeze %dma_start3A_805 : memref<1x128xi32, #tpu.memory_space<vmem>> -> memref<128xi32, #tpu.memory_space<vmem>>
      %dma_start3A_807 = arith.constant 0 : i32
      %dma_start3A_808 = arith.constant 0 : i32
      %dma_start3A_809 = tpu.memref_slice %arg3[%dma_start3A_807, %dma_start3A_808] : memref<100000x128xf32, #tpu.memory_space<hbm>> -> memref<100000x128xf32, #tpu.memory_space<hbm>>
      %dma_start3A_810 = tpu.memref_slice %arg7[%dma_start3A_799] : memref<5x!tpu.dma_semaphore, #tpu.memory_space<semaphore_mem>> -> memref<1x!tpu.dma_semaphore, #tpu.memory_space<semaphore_mem>>
      %dma_start3A_811 = tpu.memref_squeeze %dma_start3A_810 : memref<1x!tpu.dma_semaphore, #tpu.memory_space<semaphore_mem>> -> memref<!tpu.dma_semaphore, #tpu.memory_space<semaphore_mem>>
      tpu.enqueue_indirect_dma source(%dma_start3A_809 : memref<100000x128xf32, #tpu.memory_space<hbm>>) target(%dma_start3A_803 : memref<128x128xf32, #tpu.memory_space<vmem>>) offsets(%dma_start3A_806 : memref<128xi32, #tpu.memory_space<vmem>>) semaphore(%dma_start3A_811 : memref<!tpu.dma_semaphore, #tpu.memory_space<semaphore_mem>>)
      %add3A_812 = arith.constant 2 : i32
      %add3A_813 = arith.addi %mul3A_668, %add3A_812 : i32
      %dma_wait3A_814 = arith.constant 2 : i32
      %dma_wait3A_815 = arith.constant 2 : i32
      %dma_wait3A_816 = arith.constant 0 : i32
      %dma_wait3A_817 = arith.constant 0 : i32
      %dma_wait3A_818 = tpu.memref_slice %arg6[%dma_wait3A_814, %dma_wait3A_816, %dma_wait3A_817] : memref<5x128x128xf32, #tpu.memory_space<vmem>> -> memref<1x128x128xf32, #tpu.memory_space<vmem>>
      %dma_wait3A_819 = tpu.memref_squeeze %dma_wait3A_818 : memref<1x128x128xf32, #tpu.memory_space<vmem>> -> memref<128x128xf32, #tpu.memory_space<vmem>>
      %dma_wait3A_820 = arith.constant 0 : i32
      %dma_wait3A_821 = tpu.memref_slice %arg5[%add3A_813, %dma_wait3A_820] : memref<50x128xi32, #tpu.memory_space<vmem>> -> memref<1x128xi32, #tpu.memory_space<vmem>>
      %dma_wait3A_822 = tpu.memref_squeeze %dma_wait3A_821 : memref<1x128xi32, #tpu.memory_space<vmem>> -> memref<128xi32, #tpu.memory_space<vmem>>
      %dma_wait3A_823 = arith.constant 0 : i32
      %dma_wait3A_824 = arith.constant 0 : i32
      %dma_wait3A_825 = tpu.memref_slice %arg3[%dma_wait3A_823, %dma_wait3A_824] : memref<100000x128xf32, #tpu.memory_space<hbm>> -> memref<100000x128xf32, #tpu.memory_space<hbm>>
      %dma_wait3A_826 = tpu.memref_slice %arg7[%dma_wait3A_815] : memref<5x!tpu.dma_semaphore, #tpu.memory_space<semaphore_mem>> -> memref<1x!tpu.dma_semaphore, #tpu.memory_space<semaphore_mem>>
      %dma_wait3A_827 = tpu.memref_squeeze %dma_wait3A_826 : memref<1x!tpu.dma_semaphore, #tpu.memory_space<semaphore_mem>> -> memref<!tpu.dma_semaphore, #tpu.memory_space<semaphore_mem>>
      tpu.wait_indirect_dma semaphore(%dma_wait3A_827 : memref<!tpu.dma_semaphore, #tpu.memory_space<semaphore_mem>>) src(%dma_wait3A_825 : memref<100000x128xf32, #tpu.memory_space<hbm>>) dst(%dma_wait3A_819 : memref<128x128xf32, #tpu.memory_space<vmem>>)
      %mul3A_828 = arith.constant 128 : i32
      %mul3A_829 = arith.muli %add3A_813, %mul3A_828 : i32
      %add3A_830 = arith.addi %mul3A_2, %mul3A_829 : i32
      %dma_start3A_831 = arith.constant 2 : i32
      %dma_start3A_832 = arith.constant 2 : i32
      %dma_start3A_833 = arith.constant 0 : i32
      %dma_start3A_834 = arith.constant 0 : i32
      %dma_start3A_835 = tpu.memref_slice %arg6[%dma_start3A_831, %dma_start3A_833, %dma_start3A_834] : memref<5x128x128xf32, #tpu.memory_space<vmem>> -> memref<1x128x128xf32, #tpu.memory_space<vmem>>
      %dma_start3A_836 = tpu.memref_squeeze %dma_start3A_835 : memref<1x128x128xf32, #tpu.memory_space<vmem>> -> memref<128x128xf32, #tpu.memory_space<vmem>>
      %dma_start3A_837 = arith.constant 0 : i32
      %dma_start3A_838 = tpu.memref_slice %arg4[%add3A_830, %dma_start3A_837] : memref<204800x128xf32, #tpu.memory_space<hbm>> -> memref<128x128xf32, #tpu.memory_space<hbm>>
      %dma_start3A_839 = tpu.memref_slice %arg8[%dma_start3A_832] : memref<5x!tpu.dma_semaphore, #tpu.memory_space<semaphore_mem>> -> memref<1x!tpu.dma_semaphore, #tpu.memory_space<semaphore_mem>>
      %dma_start3A_840 = tpu.memref_squeeze %dma_start3A_839 : memref<1x!tpu.dma_semaphore, #tpu.memory_space<semaphore_mem>> -> memref<!tpu.dma_semaphore, #tpu.memory_space<semaphore_mem>>
      %dma_start3A_841 = arith.constant 0 : i32
      %dma_start3A_842 = tpu.memref_slice %arg4[%add3A_830, %dma_start3A_841] : memref<204800x128xf32, #tpu.memory_space<hbm>> -> memref<128x128xf32, #tpu.memory_space<hbm>>
      %dma_start3A_843 = arith.constant 0 : i32
      %dma_start3A_844 = arith.constant 0 : i32
      %dma_start3A_845 = tpu.memref_slice %arg6[%dma_start3A_831, %dma_start3A_843, %dma_start3A_844] : memref<5x128x128xf32, #tpu.memory_space<vmem>> -> memref<1x128x128xf32, #tpu.memory_space<vmem>>
      %dma_start3A_846 = tpu.memref_squeeze %dma_start3A_845 : memref<1x128x128xf32, #tpu.memory_space<vmem>> -> memref<128x128xf32, #tpu.memory_space<vmem>>
      tpu.enqueue_dma source(%dma_start3A_846 : memref<128x128xf32, #tpu.memory_space<vmem>>) target(%dma_start3A_842 : memref<128x128xf32, #tpu.memory_space<hbm>>) target_semaphore(%dma_start3A_840 : memref<!tpu.dma_semaphore, #tpu.memory_space<semaphore_mem>>)
      %add3A_847 = arith.constant 3 : i32
      %add3A_848 = arith.addi %add3A_813, %add3A_847 : i32
      %sub3A_849 = arith.constant 5 : i32
      %sub3A_850 = arith.subi %add3A_848, %sub3A_849 : i32
      %mul3A_851 = arith.constant 128 : i32
      %mul3A_852 = arith.muli %sub3A_850, %mul3A_851 : i32
      %add3A_853 = arith.addi %mul3A_2, %mul3A_852 : i32
      %dma_wait3A_854 = arith.constant 0 : i32
      %dma_wait3A_855 = arith.constant 0 : i32
      %dma_wait3A_856 = arith.constant 0 : i32
      %dma_wait3A_857 = arith.constant 0 : i32
      %dma_wait3A_858 = tpu.memref_slice %arg6[%dma_wait3A_854, %dma_wait3A_856, %dma_wait3A_857] : memref<5x128x128xf32, #tpu.memory_space<vmem>> -> memref<1x128x128xf32, #tpu.memory_space<vmem>>
      %dma_wait3A_859 = tpu.memref_squeeze %dma_wait3A_858 : memref<1x128x128xf32, #tpu.memory_space<vmem>> -> memref<128x128xf32, #tpu.memory_space<vmem>>
      %dma_wait3A_860 = arith.constant 0 : i32
      %dma_wait3A_861 = tpu.memref_slice %arg4[%add3A_853, %dma_wait3A_860] : memref<204800x128xf32, #tpu.memory_space<hbm>> -> memref<128x128xf32, #tpu.memory_space<hbm>>
      %dma_wait3A_862 = tpu.memref_slice %arg8[%dma_wait3A_855] : memref<5x!tpu.dma_semaphore, #tpu.memory_space<semaphore_mem>> -> memref<1x!tpu.dma_semaphore, #tpu.memory_space<semaphore_mem>>
      %dma_wait3A_863 = tpu.memref_squeeze %dma_wait3A_862 : memref<1x!tpu.dma_semaphore, #tpu.memory_space<semaphore_mem>> -> memref<!tpu.dma_semaphore, #tpu.memory_space<semaphore_mem>>
      %dma_wait3A_864 = arith.constant 0 : i32
      %dma_wait3A_865 = tpu.memref_slice %arg4[%add3A_853, %dma_wait3A_864] : memref<204800x128xf32, #tpu.memory_space<hbm>> -> memref<128x128xf32, #tpu.memory_space<hbm>>
      %dma_wait3A_866 = arith.constant 0 : i32
      %dma_wait3A_867 = arith.constant 0 : i32
      %dma_wait3A_868 = tpu.memref_slice %arg6[%dma_wait3A_854, %dma_wait3A_866, %dma_wait3A_867] : memref<5x128x128xf32, #tpu.memory_space<vmem>> -> memref<1x128x128xf32, #tpu.memory_space<vmem>>
      %dma_wait3A_869 = tpu.memref_squeeze %dma_wait3A_868 : memref<1x128x128xf32, #tpu.memory_space<vmem>> -> memref<128x128xf32, #tpu.memory_space<vmem>>
      tpu.wait_dma2 semaphore(%dma_wait3A_863 : memref<!tpu.dma_semaphore, #tpu.memory_space<semaphore_mem>>) src(%dma_wait3A_869 : memref<128x128xf32, #tpu.memory_space<vmem>>) dst(%dma_wait3A_865 : memref<128x128xf32, #tpu.memory_space<hbm>>)
      %dma_start3A_870 = arith.constant 0 : i32
      %dma_start3A_871 = arith.constant 0 : i32
      %dma_start3A_872 = arith.constant 0 : i32
      %dma_start3A_873 = arith.constant 0 : i32
      %dma_start3A_874 = tpu.memref_slice %arg6[%dma_start3A_870, %dma_start3A_872, %dma_start3A_873] : memref<5x128x128xf32, #tpu.memory_space<vmem>> -> memref<1x128x128xf32, #tpu.memory_space<vmem>>
      %dma_start3A_875 = tpu.memref_squeeze %dma_start3A_874 : memref<1x128x128xf32, #tpu.memory_space<vmem>> -> memref<128x128xf32, #tpu.memory_space<vmem>>
      %dma_start3A_876 = arith.constant 0 : i32
      %dma_start3A_877 = tpu.memref_slice %arg5[%add3A_848, %dma_start3A_876] : memref<50x128xi32, #tpu.memory_space<vmem>> -> memref<1x128xi32, #tpu.memory_space<vmem>>
      %dma_start3A_878 = tpu.memref_squeeze %dma_start3A_877 : memref<1x128xi32, #tpu.memory_space<vmem>> -> memref<128xi32, #tpu.memory_space<vmem>>
      %dma_start3A_879 = arith.constant 0 : i32
      %dma_start3A_880 = arith.constant 0 : i32
      %dma_start3A_881 = tpu.memref_slice %arg3[%dma_start3A_879, %dma_start3A_880] : memref<100000x128xf32, #tpu.memory_space<hbm>> -> memref<100000x128xf32, #tpu.memory_space<hbm>>
      %dma_start3A_882 = tpu.memref_slice %arg7[%dma_start3A_871] : memref<5x!tpu.dma_semaphore, #tpu.memory_space<semaphore_mem>> -> memref<1x!tpu.dma_semaphore, #tpu.memory_space<semaphore_mem>>
      %dma_start3A_883 = tpu.memref_squeeze %dma_start3A_882 : memref<1x!tpu.dma_semaphore, #tpu.memory_space<semaphore_mem>> -> memref<!tpu.dma_semaphore, #tpu.memory_space<semaphore_mem>>
      tpu.enqueue_indirect_dma source(%dma_start3A_881 : memref<100000x128xf32, #tpu.memory_space<hbm>>) target(%dma_start3A_875 : memref<128x128xf32, #tpu.memory_space<vmem>>) offsets(%dma_start3A_878 : memref<128xi32, #tpu.memory_space<vmem>>) semaphore(%dma_start3A_883 : memref<!tpu.dma_semaphore, #tpu.memory_space<semaphore_mem>>)
      %add3A_884 = arith.constant 3 : i32
      %add3A_885 = arith.addi %mul3A_668, %add3A_884 : i32
      %dma_wait3A_886 = arith.constant 3 : i32
      %dma_wait3A_887 = arith.constant 3 : i32
      %dma_wait3A_888 = arith.constant 0 : i32
      %dma_wait3A_889 = arith.constant 0 : i32
      %dma_wait3A_890 = tpu.memref_slice %arg6[%dma_wait3A_886, %dma_wait3A_888, %dma_wait3A_889] : memref<5x128x128xf32, #tpu.memory_space<vmem>> -> memref<1x128x128xf32, #tpu.memory_space<vmem>>
      %dma_wait3A_891 = tpu.memref_squeeze %dma_wait3A_890 : memref<1x128x128xf32, #tpu.memory_space<vmem>> -> memref<128x128xf32, #tpu.memory_space<vmem>>
      %dma_wait3A_892 = arith.constant 0 : i32
      %dma_wait3A_893 = tpu.memref_slice %arg5[%add3A_885, %dma_wait3A_892] : memref<50x128xi32, #tpu.memory_space<vmem>> -> memref<1x128xi32, #tpu.memory_space<vmem>>
      %dma_wait3A_894 = tpu.memref_squeeze %dma_wait3A_893 : memref<1x128xi32, #tpu.memory_space<vmem>> -> memref<128xi32, #tpu.memory_space<vmem>>
      %dma_wait3A_895 = arith.constant 0 : i32
      %dma_wait3A_896 = arith.constant 0 : i32
      %dma_wait3A_897 = tpu.memref_slice %arg3[%dma_wait3A_895, %dma_wait3A_896] : memref<100000x128xf32, #tpu.memory_space<hbm>> -> memref<100000x128xf32, #tpu.memory_space<hbm>>
      %dma_wait3A_898 = tpu.memref_slice %arg7[%dma_wait3A_887] : memref<5x!tpu.dma_semaphore, #tpu.memory_space<semaphore_mem>> -> memref<1x!tpu.dma_semaphore, #tpu.memory_space<semaphore_mem>>
      %dma_wait3A_899 = tpu.memref_squeeze %dma_wait3A_898 : memref<1x!tpu.dma_semaphore, #tpu.memory_space<semaphore_mem>> -> memref<!tpu.dma_semaphore, #tpu.memory_space<semaphore_mem>>
      tpu.wait_indirect_dma semaphore(%dma_wait3A_899 : memref<!tpu.dma_semaphore, #tpu.memory_space<semaphore_mem>>) src(%dma_wait3A_897 : memref<100000x128xf32, #tpu.memory_space<hbm>>) dst(%dma_wait3A_891 : memref<128x128xf32, #tpu.memory_space<vmem>>)
      %mul3A_900 = arith.constant 128 : i32
      %mul3A_901 = arith.muli %add3A_885, %mul3A_900 : i32
      %add3A_902 = arith.addi %mul3A_2, %mul3A_901 : i32
      %dma_start3A_903 = arith.constant 3 : i32
      %dma_start3A_904 = arith.constant 3 : i32
      %dma_start3A_905 = arith.constant 0 : i32
      %dma_start3A_906 = arith.constant 0 : i32
      %dma_start3A_907 = tpu.memref_slice %arg6[%dma_start3A_903, %dma_start3A_905, %dma_start3A_906] : memref<5x128x128xf32, #tpu.memory_space<vmem>> -> memref<1x128x128xf32, #tpu.memory_space<vmem>>
      %dma_start3A_908 = tpu.memref_squeeze %dma_start3A_907 : memref<1x128x128xf32, #tpu.memory_space<vmem>> -> memref<128x128xf32, #tpu.memory_space<vmem>>
      %dma_start3A_909 = arith.constant 0 : i32
      %dma_start3A_910 = tpu.memref_slice %arg4[%add3A_902, %dma_start3A_909] : memref<204800x128xf32, #tpu.memory_space<hbm>> -> memref<128x128xf32, #tpu.memory_space<hbm>>
      %dma_start3A_911 = tpu.memref_slice %arg8[%dma_start3A_904] : memref<5x!tpu.dma_semaphore, #tpu.memory_space<semaphore_mem>> -> memref<1x!tpu.dma_semaphore, #tpu.memory_space<semaphore_mem>>
      %dma_start3A_912 = tpu.memref_squeeze %dma_start3A_911 : memref<1x!tpu.dma_semaphore, #tpu.memory_space<semaphore_mem>> -> memref<!tpu.dma_semaphore, #tpu.memory_space<semaphore_mem>>
      %dma_start3A_913 = arith.constant 0 : i32
      %dma_start3A_914 = tpu.memref_slice %arg4[%add3A_902, %dma_start3A_913] : memref<204800x128xf32, #tpu.memory_space<hbm>> -> memref<128x128xf32, #tpu.memory_space<hbm>>
      %dma_start3A_915 = arith.constant 0 : i32
      %dma_start3A_916 = arith.constant 0 : i32
      %dma_start3A_917 = tpu.memref_slice %arg6[%dma_start3A_903, %dma_start3A_915, %dma_start3A_916] : memref<5x128x128xf32, #tpu.memory_space<vmem>> -> memref<1x128x128xf32, #tpu.memory_space<vmem>>
      %dma_start3A_918 = tpu.memref_squeeze %dma_start3A_917 : memref<1x128x128xf32, #tpu.memory_space<vmem>> -> memref<128x128xf32, #tpu.memory_space<vmem>>
      tpu.enqueue_dma source(%dma_start3A_918 : memref<128x128xf32, #tpu.memory_space<vmem>>) target(%dma_start3A_914 : memref<128x128xf32, #tpu.memory_space<hbm>>) target_semaphore(%dma_start3A_912 : memref<!tpu.dma_semaphore, #tpu.memory_space<semaphore_mem>>)
      %add3A_919 = arith.constant 3 : i32
      %add3A_920 = arith.addi %add3A_885, %add3A_919 : i32
      %sub3A_921 = arith.constant 5 : i32
      %sub3A_922 = arith.subi %add3A_920, %sub3A_921 : i32
      %mul3A_923 = arith.constant 128 : i32
      %mul3A_924 = arith.muli %sub3A_922, %mul3A_923 : i32
      %add3A_925 = arith.addi %mul3A_2, %mul3A_924 : i32
      %dma_wait3A_926 = arith.constant 1 : i32
      %dma_wait3A_927 = arith.constant 1 : i32
      %dma_wait3A_928 = arith.constant 0 : i32
      %dma_wait3A_929 = arith.constant 0 : i32
      %dma_wait3A_930 = tpu.memref_slice %arg6[%dma_wait3A_926, %dma_wait3A_928, %dma_wait3A_929] : memref<5x128x128xf32, #tpu.memory_space<vmem>> -> memref<1x128x128xf32, #tpu.memory_space<vmem>>
      %dma_wait3A_931 = tpu.memref_squeeze %dma_wait3A_930 : memref<1x128x128xf32, #tpu.memory_space<vmem>> -> memref<128x128xf32, #tpu.memory_space<vmem>>
      %dma_wait3A_932 = arith.constant 0 : i32
      %dma_wait3A_933 = tpu.memref_slice %arg4[%add3A_925, %dma_wait3A_932] : memref<204800x128xf32, #tpu.memory_space<hbm>> -> memref<128x128xf32, #tpu.memory_space<hbm>>
      %dma_wait3A_934 = tpu.memref_slice %arg8[%dma_wait3A_927] : memref<5x!tpu.dma_semaphore, #tpu.memory_space<semaphore_mem>> -> memref<1x!tpu.dma_semaphore, #tpu.memory_space<semaphore_mem>>
      %dma_wait3A_935 = tpu.memref_squeeze %dma_wait3A_934 : memref<1x!tpu.dma_semaphore, #tpu.memory_space<semaphore_mem>> -> memref<!tpu.dma_semaphore, #tpu.memory_space<semaphore_mem>>
      %dma_wait3A_936 = arith.constant 0 : i32
      %dma_wait3A_937 = tpu.memref_slice %arg4[%add3A_925, %dma_wait3A_936] : memref<204800x128xf32, #tpu.memory_space<hbm>> -> memref<128x128xf32, #tpu.memory_space<hbm>>
      %dma_wait3A_938 = arith.constant 0 : i32
      %dma_wait3A_939 = arith.constant 0 : i32
      %dma_wait3A_940 = tpu.memref_slice %arg6[%dma_wait3A_926, %dma_wait3A_938, %dma_wait3A_939] : memref<5x128x128xf32, #tpu.memory_space<vmem>> -> memref<1x128x128xf32, #tpu.memory_space<vmem>>
      %dma_wait3A_941 = tpu.memref_squeeze %dma_wait3A_940 : memref<1x128x128xf32, #tpu.memory_space<vmem>> -> memref<128x128xf32, #tpu.memory_space<vmem>>
      tpu.wait_dma2 semaphore(%dma_wait3A_935 : memref<!tpu.dma_semaphore, #tpu.memory_space<semaphore_mem>>) src(%dma_wait3A_941 : memref<128x128xf32, #tpu.memory_space<vmem>>) dst(%dma_wait3A_937 : memref<128x128xf32, #tpu.memory_space<hbm>>)
      %dma_start3A_942 = arith.constant 1 : i32
      %dma_start3A_943 = arith.constant 1 : i32
      %dma_start3A_944 = arith.constant 0 : i32
      %dma_start3A_945 = arith.constant 0 : i32
      %dma_start3A_946 = tpu.memref_slice %arg6[%dma_start3A_942, %dma_start3A_944, %dma_start3A_945] : memref<5x128x128xf32, #tpu.memory_space<vmem>> -> memref<1x128x128xf32, #tpu.memory_space<vmem>>
      %dma_start3A_947 = tpu.memref_squeeze %dma_start3A_946 : memref<1x128x128xf32, #tpu.memory_space<vmem>> -> memref<128x128xf32, #tpu.memory_space<vmem>>
      %dma_start3A_948 = arith.constant 0 : i32
      %dma_start3A_949 = tpu.memref_slice %arg5[%add3A_920, %dma_start3A_948] : memref<50x128xi32, #tpu.memory_space<vmem>> -> memref<1x128xi32, #tpu.memory_space<vmem>>
      %dma_start3A_950 = tpu.memref_squeeze %dma_start3A_949 : memref<1x128xi32, #tpu.memory_space<vmem>> -> memref<128xi32, #tpu.memory_space<vmem>>
      %dma_start3A_951 = arith.constant 0 : i32
      %dma_start3A_952 = arith.constant 0 : i32
      %dma_start3A_953 = tpu.memref_slice %arg3[%dma_start3A_951, %dma_start3A_952] : memref<100000x128xf32, #tpu.memory_space<hbm>> -> memref<100000x128xf32, #tpu.memory_space<hbm>>
      %dma_start3A_954 = tpu.memref_slice %arg7[%dma_start3A_943] : memref<5x!tpu.dma_semaphore, #tpu.memory_space<semaphore_mem>> -> memref<1x!tpu.dma_semaphore, #tpu.memory_space<semaphore_mem>>
      %dma_start3A_955 = tpu.memref_squeeze %dma_start3A_954 : memref<1x!tpu.dma_semaphore, #tpu.memory_space<semaphore_mem>> -> memref<!tpu.dma_semaphore, #tpu.memory_space<semaphore_mem>>
      tpu.enqueue_indirect_dma source(%dma_start3A_953 : memref<100000x128xf32, #tpu.memory_space<hbm>>) target(%dma_start3A_947 : memref<128x128xf32, #tpu.memory_space<vmem>>) offsets(%dma_start3A_950 : memref<128xi32, #tpu.memory_space<vmem>>) semaphore(%dma_start3A_955 : memref<!tpu.dma_semaphore, #tpu.memory_space<semaphore_mem>>)
      %add3A_956 = arith.constant 4 : i32
      %add3A_957 = arith.addi %mul3A_668, %add3A_956 : i32
      %dma_wait3A_958 = arith.constant 4 : i32
      %dma_wait3A_959 = arith.constant 4 : i32
      %dma_wait3A_960 = arith.constant 0 : i32
      %dma_wait3A_961 = arith.constant 0 : i32
      %dma_wait3A_962 = tpu.memref_slice %arg6[%dma_wait3A_958, %dma_wait3A_960, %dma_wait3A_961] : memref<5x128x128xf32, #tpu.memory_space<vmem>> -> memref<1x128x128xf32, #tpu.memory_space<vmem>>
      %dma_wait3A_963 = tpu.memref_squeeze %dma_wait3A_962 : memref<1x128x128xf32, #tpu.memory_space<vmem>> -> memref<128x128xf32, #tpu.memory_space<vmem>>
      %dma_wait3A_964 = arith.constant 0 : i32
      %dma_wait3A_965 = tpu.memref_slice %arg5[%add3A_957, %dma_wait3A_964] : memref<50x128xi32, #tpu.memory_space<vmem>> -> memref<1x128xi32, #tpu.memory_space<vmem>>
      %dma_wait3A_966 = tpu.memref_squeeze %dma_wait3A_965 : memref<1x128xi32, #tpu.memory_space<vmem>> -> memref<128xi32, #tpu.memory_space<vmem>>
      %dma_wait3A_967 = arith.constant 0 : i32
      %dma_wait3A_968 = arith.constant 0 : i32
      %dma_wait3A_969 = tpu.memref_slice %arg3[%dma_wait3A_967, %dma_wait3A_968] : memref<100000x128xf32, #tpu.memory_space<hbm>> -> memref<100000x128xf32, #tpu.memory_space<hbm>>
      %dma_wait3A_970 = tpu.memref_slice %arg7[%dma_wait3A_959] : memref<5x!tpu.dma_semaphore, #tpu.memory_space<semaphore_mem>> -> memref<1x!tpu.dma_semaphore, #tpu.memory_space<semaphore_mem>>
      %dma_wait3A_971 = tpu.memref_squeeze %dma_wait3A_970 : memref<1x!tpu.dma_semaphore, #tpu.memory_space<semaphore_mem>> -> memref<!tpu.dma_semaphore, #tpu.memory_space<semaphore_mem>>
      tpu.wait_indirect_dma semaphore(%dma_wait3A_971 : memref<!tpu.dma_semaphore, #tpu.memory_space<semaphore_mem>>) src(%dma_wait3A_969 : memref<100000x128xf32, #tpu.memory_space<hbm>>) dst(%dma_wait3A_963 : memref<128x128xf32, #tpu.memory_space<vmem>>)
      %mul3A_972 = arith.constant 128 : i32
      %mul3A_973 = arith.muli %add3A_957, %mul3A_972 : i32
      %add3A_974 = arith.addi %mul3A_2, %mul3A_973 : i32
      %dma_start3A_975 = arith.constant 4 : i32
      %dma_start3A_976 = arith.constant 4 : i32
      %dma_start3A_977 = arith.constant 0 : i32
      %dma_start3A_978 = arith.constant 0 : i32
      %dma_start3A_979 = tpu.memref_slice %arg6[%dma_start3A_975, %dma_start3A_977, %dma_start3A_978] : memref<5x128x128xf32, #tpu.memory_space<vmem>> -> memref<1x128x128xf32, #tpu.memory_space<vmem>>
      %dma_start3A_980 = tpu.memref_squeeze %dma_start3A_979 : memref<1x128x128xf32, #tpu.memory_space<vmem>> -> memref<128x128xf32, #tpu.memory_space<vmem>>
      %dma_start3A_981 = arith.constant 0 : i32
      %dma_start3A_982 = tpu.memref_slice %arg4[%add3A_974, %dma_start3A_981] : memref<204800x128xf32, #tpu.memory_space<hbm>> -> memref<128x128xf32, #tpu.memory_space<hbm>>
      %dma_start3A_983 = tpu.memref_slice %arg8[%dma_start3A_976] : memref<5x!tpu.dma_semaphore, #tpu.memory_space<semaphore_mem>> -> memref<1x!tpu.dma_semaphore, #tpu.memory_space<semaphore_mem>>
      %dma_start3A_984 = tpu.memref_squeeze %dma_start3A_983 : memref<1x!tpu.dma_semaphore, #tpu.memory_space<semaphore_mem>> -> memref<!tpu.dma_semaphore, #tpu.memory_space<semaphore_mem>>
      %dma_start3A_985 = arith.constant 0 : i32
      %dma_start3A_986 = tpu.memref_slice %arg4[%add3A_974, %dma_start3A_985] : memref<204800x128xf32, #tpu.memory_space<hbm>> -> memref<128x128xf32, #tpu.memory_space<hbm>>
      %dma_start3A_987 = arith.constant 0 : i32
      %dma_start3A_988 = arith.constant 0 : i32
      %dma_start3A_989 = tpu.memref_slice %arg6[%dma_start3A_975, %dma_start3A_987, %dma_start3A_988] : memref<5x128x128xf32, #tpu.memory_space<vmem>> -> memref<1x128x128xf32, #tpu.memory_space<vmem>>
      %dma_start3A_990 = tpu.memref_squeeze %dma_start3A_989 : memref<1x128x128xf32, #tpu.memory_space<vmem>> -> memref<128x128xf32, #tpu.memory_space<vmem>>
      tpu.enqueue_dma source(%dma_start3A_990 : memref<128x128xf32, #tpu.memory_space<vmem>>) target(%dma_start3A_986 : memref<128x128xf32, #tpu.memory_space<hbm>>) target_semaphore(%dma_start3A_984 : memref<!tpu.dma_semaphore, #tpu.memory_space<semaphore_mem>>)
      %add3A_991 = arith.constant 3 : i32
      %add3A_992 = arith.addi %add3A_957, %add3A_991 : i32
      %sub3A_993 = arith.constant 5 : i32
      %sub3A_994 = arith.subi %add3A_992, %sub3A_993 : i32
      %mul3A_995 = arith.constant 128 : i32
      %mul3A_996 = arith.muli %sub3A_994, %mul3A_995 : i32
      %add3A_997 = arith.addi %mul3A_2, %mul3A_996 : i32
      %dma_wait3A_998 = arith.constant 2 : i32
      %dma_wait3A_999 = arith.constant 2 : i32
      %dma_wait3A_1000 = arith.constant 0 : i32
      %dma_wait3A_1001 = arith.constant 0 : i32
      %dma_wait3A_1002 = tpu.memref_slice %arg6[%dma_wait3A_998, %dma_wait3A_1000, %dma_wait3A_1001] : memref<5x128x128xf32, #tpu.memory_space<vmem>> -> memref<1x128x128xf32, #tpu.memory_space<vmem>>
      %dma_wait3A_1003 = tpu.memref_squeeze %dma_wait3A_1002 : memref<1x128x128xf32, #tpu.memory_space<vmem>> -> memref<128x128xf32, #tpu.memory_space<vmem>>
      %dma_wait3A_1004 = arith.constant 0 : i32
      %dma_wait3A_1005 = tpu.memref_slice %arg4[%add3A_997, %dma_wait3A_1004] : memref<204800x128xf32, #tpu.memory_space<hbm>> -> memref<128x128xf32, #tpu.memory_space<hbm>>
      %dma_wait3A_1006 = tpu.memref_slice %arg8[%dma_wait3A_999] : memref<5x!tpu.dma_semaphore, #tpu.memory_space<semaphore_mem>> -> memref<1x!tpu.dma_semaphore, #tpu.memory_space<semaphore_mem>>
      %dma_wait3A_1007 = tpu.memref_squeeze %dma_wait3A_1006 : memref<1x!tpu.dma_semaphore, #tpu.memory_space<semaphore_mem>> -> memref<!tpu.dma_semaphore, #tpu.memory_space<semaphore_mem>>
      %dma_wait3A_1008 = arith.constant 0 : i32
      %dma_wait3A_1009 = tpu.memref_slice %arg4[%add3A_997, %dma_wait3A_1008] : memref<204800x128xf32, #tpu.memory_space<hbm>> -> memref<128x128xf32, #tpu.memory_space<hbm>>
      %dma_wait3A_1010 = arith.constant 0 : i32
      %dma_wait3A_1011 = arith.constant 0 : i32
      %dma_wait3A_1012 = tpu.memref_slice %arg6[%dma_wait3A_998, %dma_wait3A_1010, %dma_wait3A_1011] : memref<5x128x128xf32, #tpu.memory_space<vmem>> -> memref<1x128x128xf32, #tpu.memory_space<vmem>>
      %dma_wait3A_1013 = tpu.memref_squeeze %dma_wait3A_1012 : memref<1x128x128xf32, #tpu.memory_space<vmem>> -> memref<128x128xf32, #tpu.memory_space<vmem>>
      tpu.wait_dma2 semaphore(%dma_wait3A_1007 : memref<!tpu.dma_semaphore, #tpu.memory_space<semaphore_mem>>) src(%dma_wait3A_1013 : memref<128x128xf32, #tpu.memory_space<vmem>>) dst(%dma_wait3A_1009 : memref<128x128xf32, #tpu.memory_space<hbm>>)
      %dma_start3A_1014 = arith.constant 2 : i32
      %dma_start3A_1015 = arith.constant 2 : i32
      %dma_start3A_1016 = arith.constant 0 : i32
      %dma_start3A_1017 = arith.constant 0 : i32
      %dma_start3A_1018 = tpu.memref_slice %arg6[%dma_start3A_1014, %dma_start3A_1016, %dma_start3A_1017] : memref<5x128x128xf32, #tpu.memory_space<vmem>> -> memref<1x128x128xf32, #tpu.memory_space<vmem>>
      %dma_start3A_1019 = tpu.memref_squeeze %dma_start3A_1018 : memref<1x128x128xf32, #tpu.memory_space<vmem>> -> memref<128x128xf32, #tpu.memory_space<vmem>>
      %dma_start3A_1020 = arith.constant 0 : i32
      %dma_start3A_1021 = tpu.memref_slice %arg5[%add3A_992, %dma_start3A_1020] : memref<50x128xi32, #tpu.memory_space<vmem>> -> memref<1x128xi32, #tpu.memory_space<vmem>>
      %dma_start3A_1022 = tpu.memref_squeeze %dma_start3A_1021 : memref<1x128xi32, #tpu.memory_space<vmem>> -> memref<128xi32, #tpu.memory_space<vmem>>
      %dma_start3A_1023 = arith.constant 0 : i32
      %dma_start3A_1024 = arith.constant 0 : i32
      %dma_start3A_1025 = tpu.memref_slice %arg3[%dma_start3A_1023, %dma_start3A_1024] : memref<100000x128xf32, #tpu.memory_space<hbm>> -> memref<100000x128xf32, #tpu.memory_space<hbm>>
      %dma_start3A_1026 = tpu.memref_slice %arg7[%dma_start3A_1015] : memref<5x!tpu.dma_semaphore, #tpu.memory_space<semaphore_mem>> -> memref<1x!tpu.dma_semaphore, #tpu.memory_space<semaphore_mem>>
      %dma_start3A_1027 = tpu.memref_squeeze %dma_start3A_1026 : memref<1x!tpu.dma_semaphore, #tpu.memory_space<semaphore_mem>> -> memref<!tpu.dma_semaphore, #tpu.memory_space<semaphore_mem>>
      tpu.enqueue_indirect_dma source(%dma_start3A_1025 : memref<100000x128xf32, #tpu.memory_space<hbm>>) target(%dma_start3A_1019 : memref<128x128xf32, #tpu.memory_space<vmem>>) offsets(%dma_start3A_1022 : memref<128xi32, #tpu.memory_space<vmem>>) semaphore(%dma_start3A_1027 : memref<!tpu.dma_semaphore, #tpu.memory_space<semaphore_mem>>)
    }
    %scan3A_344 = arith.constant 8 : i32
    %dma_wait3A_345 = arith.constant 45 : i32
    %dma_wait3A_346 = arith.constant 0 : i32
    %dma_wait3A_347 = arith.constant 0 : i32
    %dma_wait3A_348 = arith.constant 0 : i32
    %dma_wait3A_349 = arith.constant 0 : i32
    %dma_wait3A_350 = tpu.memref_slice %arg6[%dma_wait3A_346, %dma_wait3A_348, %dma_wait3A_349] : memref<5x128x128xf32, #tpu.memory_space<vmem>> -> memref<1x128x128xf32, #tpu.memory_space<vmem>>
    %dma_wait3A_351 = tpu.memref_squeeze %dma_wait3A_350 : memref<1x128x128xf32, #tpu.memory_space<vmem>> -> memref<128x128xf32, #tpu.memory_space<vmem>>
    %dma_wait3A_352 = arith.constant 0 : i32
    %dma_wait3A_353 = tpu.memref_slice %arg5[%dma_wait3A_345, %dma_wait3A_352] : memref<50x128xi32, #tpu.memory_space<vmem>> -> memref<1x128xi32, #tpu.memory_space<vmem>>
    %dma_wait3A_354 = tpu.memref_squeeze %dma_wait3A_353 : memref<1x128xi32, #tpu.memory_space<vmem>> -> memref<128xi32, #tpu.memory_space<vmem>>
    %dma_wait3A_355 = arith.constant 0 : i32
    %dma_wait3A_356 = arith.constant 0 : i32
    %dma_wait3A_357 = tpu.memref_slice %arg3[%dma_wait3A_355, %dma_wait3A_356] : memref<100000x128xf32, #tpu.memory_space<hbm>> -> memref<100000x128xf32, #tpu.memory_space<hbm>>
    %dma_wait3A_358 = tpu.memref_slice %arg7[%dma_wait3A_347] : memref<5x!tpu.dma_semaphore, #tpu.memory_space<semaphore_mem>> -> memref<1x!tpu.dma_semaphore, #tpu.memory_space<semaphore_mem>>
    %dma_wait3A_359 = tpu.memref_squeeze %dma_wait3A_358 : memref<1x!tpu.dma_semaphore, #tpu.memory_space<semaphore_mem>> -> memref<!tpu.dma_semaphore, #tpu.memory_space<semaphore_mem>>
    tpu.wait_indirect_dma semaphore(%dma_wait3A_359 : memref<!tpu.dma_semaphore, #tpu.memory_space<semaphore_mem>>) src(%dma_wait3A_357 : memref<100000x128xf32, #tpu.memory_space<hbm>>) dst(%dma_wait3A_351 : memref<128x128xf32, #tpu.memory_space<vmem>>)
    %add3A_360 = arith.constant 5760 : i32
    %add3A_361 = arith.addi %mul3A_2, %add3A_360 : i32
    %dma_start3A_362 = arith.constant 0 : i32
    %dma_start3A_363 = arith.constant 0 : i32
    %dma_start3A_364 = arith.constant 0 : i32
    %dma_start3A_365 = arith.constant 0 : i32
    %dma_start3A_366 = tpu.memref_slice %arg6[%dma_start3A_362, %dma_start3A_364, %dma_start3A_365] : memref<5x128x128xf32, #tpu.memory_space<vmem>> -> memref<1x128x128xf32, #tpu.memory_space<vmem>>
    %dma_start3A_367 = tpu.memref_squeeze %dma_start3A_366 : memref<1x128x128xf32, #tpu.memory_space<vmem>> -> memref<128x128xf32, #tpu.memory_space<vmem>>
    %dma_start3A_368 = arith.constant 0 : i32
    %dma_start3A_369 = tpu.memref_slice %arg4[%add3A_361, %dma_start3A_368] : memref<204800x128xf32, #tpu.memory_space<hbm>> -> memref<128x128xf32, #tpu.memory_space<hbm>>
    %dma_start3A_370 = tpu.memref_slice %arg8[%dma_start3A_363] : memref<5x!tpu.dma_semaphore, #tpu.memory_space<semaphore_mem>> -> memref<1x!tpu.dma_semaphore, #tpu.memory_space<semaphore_mem>>
    %dma_start3A_371 = tpu.memref_squeeze %dma_start3A_370 : memref<1x!tpu.dma_semaphore, #tpu.memory_space<semaphore_mem>> -> memref<!tpu.dma_semaphore, #tpu.memory_space<semaphore_mem>>
    %dma_start3A_372 = arith.constant 0 : i32
    %dma_start3A_373 = tpu.memref_slice %arg4[%add3A_361, %dma_start3A_372] : memref<204800x128xf32, #tpu.memory_space<hbm>> -> memref<128x128xf32, #tpu.memory_space<hbm>>
    %dma_start3A_374 = arith.constant 0 : i32
    %dma_start3A_375 = arith.constant 0 : i32
    %dma_start3A_376 = tpu.memref_slice %arg6[%dma_start3A_362, %dma_start3A_374, %dma_start3A_375] : memref<5x128x128xf32, #tpu.memory_space<vmem>> -> memref<1x128x128xf32, #tpu.memory_space<vmem>>
    %dma_start3A_377 = tpu.memref_squeeze %dma_start3A_376 : memref<1x128x128xf32, #tpu.memory_space<vmem>> -> memref<128x128xf32, #tpu.memory_space<vmem>>
    tpu.enqueue_dma source(%dma_start3A_377 : memref<128x128xf32, #tpu.memory_space<vmem>>) target(%dma_start3A_373 : memref<128x128xf32, #tpu.memory_space<hbm>>) target_semaphore(%dma_start3A_371 : memref<!tpu.dma_semaphore, #tpu.memory_space<semaphore_mem>>)
    %add3A_378 = arith.constant 5504 : i32
    %add3A_379 = arith.addi %mul3A_2, %add3A_378 : i32
    %dma_wait3A_380 = arith.constant 3 : i32
    %dma_wait3A_381 = arith.constant 3 : i32
    %dma_wait3A_382 = arith.constant 0 : i32
    %dma_wait3A_383 = arith.constant 0 : i32
    %dma_wait3A_384 = tpu.memref_slice %arg6[%dma_wait3A_380, %dma_wait3A_382, %dma_wait3A_383] : memref<5x128x128xf32, #tpu.memory_space<vmem>> -> memref<1x128x128xf32, #tpu.memory_space<vmem>>
    %dma_wait3A_385 = tpu.memref_squeeze %dma_wait3A_384 : memref<1x128x128xf32, #tpu.memory_space<vmem>> -> memref<128x128xf32, #tpu.memory_space<vmem>>
    %dma_wait3A_386 = arith.constant 0 : i32
    %dma_wait3A_387 = tpu.memref_slice %arg4[%add3A_379, %dma_wait3A_386] : memref<204800x128xf32, #tpu.memory_space<hbm>> -> memref<128x128xf32, #tpu.memory_space<hbm>>
    %dma_wait3A_388 = tpu.memref_slice %arg8[%dma_wait3A_381] : memref<5x!tpu.dma_semaphore, #tpu.memory_space<semaphore_mem>> -> memref<1x!tpu.dma_semaphore, #tpu.memory_space<semaphore_mem>>
    %dma_wait3A_389 = tpu.memref_squeeze %dma_wait3A_388 : memref<1x!tpu.dma_semaphore, #tpu.memory_space<semaphore_mem>> -> memref<!tpu.dma_semaphore, #tpu.memory_space<semaphore_mem>>
    %dma_wait3A_390 = arith.constant 0 : i32
    %dma_wait3A_391 = tpu.memref_slice %arg4[%add3A_379, %dma_wait3A_390] : memref<204800x128xf32, #tpu.memory_space<hbm>> -> memref<128x128xf32, #tpu.memory_space<hbm>>
    %dma_wait3A_392 = arith.constant 0 : i32
    %dma_wait3A_393 = arith.constant 0 : i32
    %dma_wait3A_394 = tpu.memref_slice %arg6[%dma_wait3A_380, %dma_wait3A_392, %dma_wait3A_393] : memref<5x128x128xf32, #tpu.memory_space<vmem>> -> memref<1x128x128xf32, #tpu.memory_space<vmem>>
    %dma_wait3A_395 = tpu.memref_squeeze %dma_wait3A_394 : memref<1x128x128xf32, #tpu.memory_space<vmem>> -> memref<128x128xf32, #tpu.memory_space<vmem>>
    tpu.wait_dma2 semaphore(%dma_wait3A_389 : memref<!tpu.dma_semaphore, #tpu.memory_space<semaphore_mem>>) src(%dma_wait3A_395 : memref<128x128xf32, #tpu.memory_space<vmem>>) dst(%dma_wait3A_391 : memref<128x128xf32, #tpu.memory_space<hbm>>)
    %dma_start3A_396 = arith.constant 48 : i32
    %dma_start3A_397 = arith.constant 3 : i32
    %dma_start3A_398 = arith.constant 3 : i32
    %dma_start3A_399 = arith.constant 0 : i32
    %dma_start3A_400 = arith.constant 0 : i32
    %dma_start3A_401 = tpu.memref_slice %arg6[%dma_start3A_397, %dma_start3A_399, %dma_start3A_400] : memref<5x128x128xf32, #tpu.memory_space<vmem>> -> memref<1x128x128xf32, #tpu.memory_space<vmem>>
    %dma_start3A_402 = tpu.memref_squeeze %dma_start3A_401 : memref<1x128x128xf32, #tpu.memory_space<vmem>> -> memref<128x128xf32, #tpu.memory_space<vmem>>
    %dma_start3A_403 = arith.constant 0 : i32
    %dma_start3A_404 = tpu.memref_slice %arg5[%dma_start3A_396, %dma_start3A_403] : memref<50x128xi32, #tpu.memory_space<vmem>> -> memref<1x128xi32, #tpu.memory_space<vmem>>
    %dma_start3A_405 = tpu.memref_squeeze %dma_start3A_404 : memref<1x128xi32, #tpu.memory_space<vmem>> -> memref<128xi32, #tpu.memory_space<vmem>>
    %dma_start3A_406 = arith.constant 0 : i32
    %dma_start3A_407 = arith.constant 0 : i32
    %dma_start3A_408 = tpu.memref_slice %arg3[%dma_start3A_406, %dma_start3A_407] : memref<100000x128xf32, #tpu.memory_space<hbm>> -> memref<100000x128xf32, #tpu.memory_space<hbm>>
    %dma_start3A_409 = tpu.memref_slice %arg7[%dma_start3A_398] : memref<5x!tpu.dma_semaphore, #tpu.memory_space<semaphore_mem>> -> memref<1x!tpu.dma_semaphore, #tpu.memory_space<semaphore_mem>>
    %dma_start3A_410 = tpu.memref_squeeze %dma_start3A_409 : memref<1x!tpu.dma_semaphore, #tpu.memory_space<semaphore_mem>> -> memref<!tpu.dma_semaphore, #tpu.memory_space<semaphore_mem>>
    tpu.enqueue_indirect_dma source(%dma_start3A_408 : memref<100000x128xf32, #tpu.memory_space<hbm>>) target(%dma_start3A_402 : memref<128x128xf32, #tpu.memory_space<vmem>>) offsets(%dma_start3A_405 : memref<128xi32, #tpu.memory_space<vmem>>) semaphore(%dma_start3A_410 : memref<!tpu.dma_semaphore, #tpu.memory_space<semaphore_mem>>)
    %dma_wait3A_411 = arith.constant 46 : i32
    %dma_wait3A_412 = arith.constant 1 : i32
    %dma_wait3A_413 = arith.constant 1 : i32
    %dma_wait3A_414 = arith.constant 0 : i32
    %dma_wait3A_415 = arith.constant 0 : i32
    %dma_wait3A_416 = tpu.memref_slice %arg6[%dma_wait3A_412, %dma_wait3A_414, %dma_wait3A_415] : memref<5x128x128xf32, #tpu.memory_space<vmem>> -> memref<1x128x128xf32, #tpu.memory_space<vmem>>
    %dma_wait3A_417 = tpu.memref_squeeze %dma_wait3A_416 : memref<1x128x128xf32, #tpu.memory_space<vmem>> -> memref<128x128xf32, #tpu.memory_space<vmem>>
    %dma_wait3A_418 = arith.constant 0 : i32
    %dma_wait3A_419 = tpu.memref_slice %arg5[%dma_wait3A_411, %dma_wait3A_418] : memref<50x128xi32, #tpu.memory_space<vmem>> -> memref<1x128xi32, #tpu.memory_space<vmem>>
    %dma_wait3A_420 = tpu.memref_squeeze %dma_wait3A_419 : memref<1x128xi32, #tpu.memory_space<vmem>> -> memref<128xi32, #tpu.memory_space<vmem>>
    %dma_wait3A_421 = arith.constant 0 : i32
    %dma_wait3A_422 = arith.constant 0 : i32
    %dma_wait3A_423 = tpu.memref_slice %arg3[%dma_wait3A_421, %dma_wait3A_422] : memref<100000x128xf32, #tpu.memory_space<hbm>> -> memref<100000x128xf32, #tpu.memory_space<hbm>>
    %dma_wait3A_424 = tpu.memref_slice %arg7[%dma_wait3A_413] : memref<5x!tpu.dma_semaphore, #tpu.memory_space<semaphore_mem>> -> memref<1x!tpu.dma_semaphore, #tpu.memory_space<semaphore_mem>>
    %dma_wait3A_425 = tpu.memref_squeeze %dma_wait3A_424 : memref<1x!tpu.dma_semaphore, #tpu.memory_space<semaphore_mem>> -> memref<!tpu.dma_semaphore, #tpu.memory_space<semaphore_mem>>
    tpu.wait_indirect_dma semaphore(%dma_wait3A_425 : memref<!tpu.dma_semaphore, #tpu.memory_space<semaphore_mem>>) src(%dma_wait3A_423 : memref<100000x128xf32, #tpu.memory_space<hbm>>) dst(%dma_wait3A_417 : memref<128x128xf32, #tpu.memory_space<vmem>>)
    %add3A_426 = arith.constant 5888 : i32
    %add3A_427 = arith.addi %mul3A_2, %add3A_426 : i32
    %dma_start3A_428 = arith.constant 1 : i32
    %dma_start3A_429 = arith.constant 1 : i32
    %dma_start3A_430 = arith.constant 0 : i32
    %dma_start3A_431 = arith.constant 0 : i32
    %dma_start3A_432 = tpu.memref_slice %arg6[%dma_start3A_428, %dma_start3A_430, %dma_start3A_431] : memref<5x128x128xf32, #tpu.memory_space<vmem>> -> memref<1x128x128xf32, #tpu.memory_space<vmem>>
    %dma_start3A_433 = tpu.memref_squeeze %dma_start3A_432 : memref<1x128x128xf32, #tpu.memory_space<vmem>> -> memref<128x128xf32, #tpu.memory_space<vmem>>
    %dma_start3A_434 = arith.constant 0 : i32
    %dma_start3A_435 = tpu.memref_slice %arg4[%add3A_427, %dma_start3A_434] : memref<204800x128xf32, #tpu.memory_space<hbm>> -> memref<128x128xf32, #tpu.memory_space<hbm>>
    %dma_start3A_436 = tpu.memref_slice %arg8[%dma_start3A_429] : memref<5x!tpu.dma_semaphore, #tpu.memory_space<semaphore_mem>> -> memref<1x!tpu.dma_semaphore, #tpu.memory_space<semaphore_mem>>
    %dma_start3A_437 = tpu.memref_squeeze %dma_start3A_436 : memref<1x!tpu.dma_semaphore, #tpu.memory_space<semaphore_mem>> -> memref<!tpu.dma_semaphore, #tpu.memory_space<semaphore_mem>>
    %dma_start3A_438 = arith.constant 0 : i32
    %dma_start3A_439 = tpu.memref_slice %arg4[%add3A_427, %dma_start3A_438] : memref<204800x128xf32, #tpu.memory_space<hbm>> -> memref<128x128xf32, #tpu.memory_space<hbm>>
    %dma_start3A_440 = arith.constant 0 : i32
    %dma_start3A_441 = arith.constant 0 : i32
    %dma_start3A_442 = tpu.memref_slice %arg6[%dma_start3A_428, %dma_start3A_440, %dma_start3A_441] : memref<5x128x128xf32, #tpu.memory_space<vmem>> -> memref<1x128x128xf32, #tpu.memory_space<vmem>>
    %dma_start3A_443 = tpu.memref_squeeze %dma_start3A_442 : memref<1x128x128xf32, #tpu.memory_space<vmem>> -> memref<128x128xf32, #tpu.memory_space<vmem>>
    tpu.enqueue_dma source(%dma_start3A_443 : memref<128x128xf32, #tpu.memory_space<vmem>>) target(%dma_start3A_439 : memref<128x128xf32, #tpu.memory_space<hbm>>) target_semaphore(%dma_start3A_437 : memref<!tpu.dma_semaphore, #tpu.memory_space<semaphore_mem>>)
    %add3A_444 = arith.constant 5632 : i32
    %add3A_445 = arith.addi %mul3A_2, %add3A_444 : i32
    %dma_wait3A_446 = arith.constant 4 : i32
    %dma_wait3A_447 = arith.constant 4 : i32
    %dma_wait3A_448 = arith.constant 0 : i32
    %dma_wait3A_449 = arith.constant 0 : i32
    %dma_wait3A_450 = tpu.memref_slice %arg6[%dma_wait3A_446, %dma_wait3A_448, %dma_wait3A_449] : memref<5x128x128xf32, #tpu.memory_space<vmem>> -> memref<1x128x128xf32, #tpu.memory_space<vmem>>
    %dma_wait3A_451 = tpu.memref_squeeze %dma_wait3A_450 : memref<1x128x128xf32, #tpu.memory_space<vmem>> -> memref<128x128xf32, #tpu.memory_space<vmem>>
    %dma_wait3A_452 = arith.constant 0 : i32
    %dma_wait3A_453 = tpu.memref_slice %arg4[%add3A_445, %dma_wait3A_452] : memref<204800x128xf32, #tpu.memory_space<hbm>> -> memref<128x128xf32, #tpu.memory_space<hbm>>
    %dma_wait3A_454 = tpu.memref_slice %arg8[%dma_wait3A_447] : memref<5x!tpu.dma_semaphore, #tpu.memory_space<semaphore_mem>> -> memref<1x!tpu.dma_semaphore, #tpu.memory_space<semaphore_mem>>
    %dma_wait3A_455 = tpu.memref_squeeze %dma_wait3A_454 : memref<1x!tpu.dma_semaphore, #tpu.memory_space<semaphore_mem>> -> memref<!tpu.dma_semaphore, #tpu.memory_space<semaphore_mem>>
    %dma_wait3A_456 = arith.constant 0 : i32
    %dma_wait3A_457 = tpu.memref_slice %arg4[%add3A_445, %dma_wait3A_456] : memref<204800x128xf32, #tpu.memory_space<hbm>> -> memref<128x128xf32, #tpu.memory_space<hbm>>
    %dma_wait3A_458 = arith.constant 0 : i32
    %dma_wait3A_459 = arith.constant 0 : i32
    %dma_wait3A_460 = tpu.memref_slice %arg6[%dma_wait3A_446, %dma_wait3A_458, %dma_wait3A_459] : memref<5x128x128xf32, #tpu.memory_space<vmem>> -> memref<1x128x128xf32, #tpu.memory_space<vmem>>
    %dma_wait3A_461 = tpu.memref_squeeze %dma_wait3A_460 : memref<1x128x128xf32, #tpu.memory_space<vmem>> -> memref<128x128xf32, #tpu.memory_space<vmem>>
    tpu.wait_dma2 semaphore(%dma_wait3A_455 : memref<!tpu.dma_semaphore, #tpu.memory_space<semaphore_mem>>) src(%dma_wait3A_461 : memref<128x128xf32, #tpu.memory_space<vmem>>) dst(%dma_wait3A_457 : memref<128x128xf32, #tpu.memory_space<hbm>>)
    %dma_start3A_462 = arith.constant 49 : i32
    %dma_start3A_463 = arith.constant 4 : i32
    %dma_start3A_464 = arith.constant 4 : i32
    %dma_start3A_465 = arith.constant 0 : i32
    %dma_start3A_466 = arith.constant 0 : i32
    %dma_start3A_467 = tpu.memref_slice %arg6[%dma_start3A_463, %dma_start3A_465, %dma_start3A_466] : memref<5x128x128xf32, #tpu.memory_space<vmem>> -> memref<1x128x128xf32, #tpu.memory_space<vmem>>
    %dma_start3A_468 = tpu.memref_squeeze %dma_start3A_467 : memref<1x128x128xf32, #tpu.memory_space<vmem>> -> memref<128x128xf32, #tpu.memory_space<vmem>>
    %dma_start3A_469 = arith.constant 0 : i32
    %dma_start3A_470 = tpu.memref_slice %arg5[%dma_start3A_462, %dma_start3A_469] : memref<50x128xi32, #tpu.memory_space<vmem>> -> memref<1x128xi32, #tpu.memory_space<vmem>>
    %dma_start3A_471 = tpu.memref_squeeze %dma_start3A_470 : memref<1x128xi32, #tpu.memory_space<vmem>> -> memref<128xi32, #tpu.memory_space<vmem>>
    %dma_start3A_472 = arith.constant 0 : i32
    %dma_start3A_473 = arith.constant 0 : i32
    %dma_start3A_474 = tpu.memref_slice %arg3[%dma_start3A_472, %dma_start3A_473] : memref<100000x128xf32, #tpu.memory_space<hbm>> -> memref<100000x128xf32, #tpu.memory_space<hbm>>
    %dma_start3A_475 = tpu.memref_slice %arg7[%dma_start3A_464] : memref<5x!tpu.dma_semaphore, #tpu.memory_space<semaphore_mem>> -> memref<1x!tpu.dma_semaphore, #tpu.memory_space<semaphore_mem>>
    %dma_start3A_476 = tpu.memref_squeeze %dma_start3A_475 : memref<1x!tpu.dma_semaphore, #tpu.memory_space<semaphore_mem>> -> memref<!tpu.dma_semaphore, #tpu.memory_space<semaphore_mem>>
    tpu.enqueue_indirect_dma source(%dma_start3A_474 : memref<100000x128xf32, #tpu.memory_space<hbm>>) target(%dma_start3A_468 : memref<128x128xf32, #tpu.memory_space<vmem>>) offsets(%dma_start3A_471 : memref<128xi32, #tpu.memory_space<vmem>>) semaphore(%dma_start3A_476 : memref<!tpu.dma_semaphore, #tpu.memory_space<semaphore_mem>>)
    %dma_wait3A_477 = arith.constant 47 : i32
    %dma_wait3A_478 = arith.constant 2 : i32
    %dma_wait3A_479 = arith.constant 2 : i32
    %dma_wait3A_480 = arith.constant 0 : i32
    %dma_wait3A_481 = arith.constant 0 : i32
    %dma_wait3A_482 = tpu.memref_slice %arg6[%dma_wait3A_478, %dma_wait3A_480, %dma_wait3A_481] : memref<5x128x128xf32, #tpu.memory_space<vmem>> -> memref<1x128x128xf32, #tpu.memory_space<vmem>>
    %dma_wait3A_483 = tpu.memref_squeeze %dma_wait3A_482 : memref<1x128x128xf32, #tpu.memory_space<vmem>> -> memref<128x128xf32, #tpu.memory_space<vmem>>
    %dma_wait3A_484 = arith.constant 0 : i32
    %dma_wait3A_485 = tpu.memref_slice %arg5[%dma_wait3A_477, %dma_wait3A_484] : memref<50x128xi32, #tpu.memory_space<vmem>> -> memref<1x128xi32, #tpu.memory_space<vmem>>
    %dma_wait3A_486 = tpu.memref_squeeze %dma_wait3A_485 : memref<1x128xi32, #tpu.memory_space<vmem>> -> memref<128xi32, #tpu.memory_space<vmem>>
    %dma_wait3A_487 = arith.constant 0 : i32
    %dma_wait3A_488 = arith.constant 0 : i32
    %dma_wait3A_489 = tpu.memref_slice %arg3[%dma_wait3A_487, %dma_wait3A_488] : memref<100000x128xf32, #tpu.memory_space<hbm>> -> memref<100000x128xf32, #tpu.memory_space<hbm>>
    %dma_wait3A_490 = tpu.memref_slice %arg7[%dma_wait3A_479] : memref<5x!tpu.dma_semaphore, #tpu.memory_space<semaphore_mem>> -> memref<1x!tpu.dma_semaphore, #tpu.memory_space<semaphore_mem>>
    %dma_wait3A_491 = tpu.memref_squeeze %dma_wait3A_490 : memref<1x!tpu.dma_semaphore, #tpu.memory_space<semaphore_mem>> -> memref<!tpu.dma_semaphore, #tpu.memory_space<semaphore_mem>>
    tpu.wait_indirect_dma semaphore(%dma_wait3A_491 : memref<!tpu.dma_semaphore, #tpu.memory_space<semaphore_mem>>) src(%dma_wait3A_489 : memref<100000x128xf32, #tpu.memory_space<hbm>>) dst(%dma_wait3A_483 : memref<128x128xf32, #tpu.memory_space<vmem>>)
    %add3A_492 = arith.constant 6016 : i32
    %add3A_493 = arith.addi %mul3A_2, %add3A_492 : i32
    %dma_start3A_494 = arith.constant 2 : i32
    %dma_start3A_495 = arith.constant 2 : i32
    %dma_start3A_496 = arith.constant 0 : i32
    %dma_start3A_497 = arith.constant 0 : i32
    %dma_start3A_498 = tpu.memref_slice %arg6[%dma_start3A_494, %dma_start3A_496, %dma_start3A_497] : memref<5x128x128xf32, #tpu.memory_space<vmem>> -> memref<1x128x128xf32, #tpu.memory_space<vmem>>
    %dma_start3A_499 = tpu.memref_squeeze %dma_start3A_498 : memref<1x128x128xf32, #tpu.memory_space<vmem>> -> memref<128x128xf32, #tpu.memory_space<vmem>>
    %dma_start3A_500 = arith.constant 0 : i32
    %dma_start3A_501 = tpu.memref_slice %arg4[%add3A_493, %dma_start3A_500] : memref<204800x128xf32, #tpu.memory_space<hbm>> -> memref<128x128xf32, #tpu.memory_space<hbm>>
    %dma_start3A_502 = tpu.memref_slice %arg8[%dma_start3A_495] : memref<5x!tpu.dma_semaphore, #tpu.memory_space<semaphore_mem>> -> memref<1x!tpu.dma_semaphore, #tpu.memory_space<semaphore_mem>>
    %dma_start3A_503 = tpu.memref_squeeze %dma_start3A_502 : memref<1x!tpu.dma_semaphore, #tpu.memory_space<semaphore_mem>> -> memref<!tpu.dma_semaphore, #tpu.memory_space<semaphore_mem>>
    %dma_start3A_504 = arith.constant 0 : i32
    %dma_start3A_505 = tpu.memref_slice %arg4[%add3A_493, %dma_start3A_504] : memref<204800x128xf32, #tpu.memory_space<hbm>> -> memref<128x128xf32, #tpu.memory_space<hbm>>
    %dma_start3A_506 = arith.constant 0 : i32
    %dma_start3A_507 = arith.constant 0 : i32
    %dma_start3A_508 = tpu.memref_slice %arg6[%dma_start3A_494, %dma_start3A_506, %dma_start3A_507] : memref<5x128x128xf32, #tpu.memory_space<vmem>> -> memref<1x128x128xf32, #tpu.memory_space<vmem>>
    %dma_start3A_509 = tpu.memref_squeeze %dma_start3A_508 : memref<1x128x128xf32, #tpu.memory_space<vmem>> -> memref<128x128xf32, #tpu.memory_space<vmem>>
    tpu.enqueue_dma source(%dma_start3A_509 : memref<128x128xf32, #tpu.memory_space<vmem>>) target(%dma_start3A_505 : memref<128x128xf32, #tpu.memory_space<hbm>>) target_semaphore(%dma_start3A_503 : memref<!tpu.dma_semaphore, #tpu.memory_space<semaphore_mem>>)
    %dma_wait3A_510 = arith.constant 48 : i32
    %dma_wait3A_511 = arith.constant 3 : i32
    %dma_wait3A_512 = arith.constant 3 : i32
    %dma_wait3A_513 = arith.constant 0 : i32
    %dma_wait3A_514 = arith.constant 0 : i32
    %dma_wait3A_515 = tpu.memref_slice %arg6[%dma_wait3A_511, %dma_wait3A_513, %dma_wait3A_514] : memref<5x128x128xf32, #tpu.memory_space<vmem>> -> memref<1x128x128xf32, #tpu.memory_space<vmem>>
    %dma_wait3A_516 = tpu.memref_squeeze %dma_wait3A_515 : memref<1x128x128xf32, #tpu.memory_space<vmem>> -> memref<128x128xf32, #tpu.memory_space<vmem>>
    %dma_wait3A_517 = arith.constant 0 : i32
    %dma_wait3A_518 = tpu.memref_slice %arg5[%dma_wait3A_510, %dma_wait3A_517] : memref<50x128xi32, #tpu.memory_space<vmem>> -> memref<1x128xi32, #tpu.memory_space<vmem>>
    %dma_wait3A_519 = tpu.memref_squeeze %dma_wait3A_518 : memref<1x128xi32, #tpu.memory_space<vmem>> -> memref<128xi32, #tpu.memory_space<vmem>>
    %dma_wait3A_520 = arith.constant 0 : i32
    %dma_wait3A_521 = arith.constant 0 : i32
    %dma_wait3A_522 = tpu.memref_slice %arg3[%dma_wait3A_520, %dma_wait3A_521] : memref<100000x128xf32, #tpu.memory_space<hbm>> -> memref<100000x128xf32, #tpu.memory_space<hbm>>
    %dma_wait3A_523 = tpu.memref_slice %arg7[%dma_wait3A_512] : memref<5x!tpu.dma_semaphore, #tpu.memory_space<semaphore_mem>> -> memref<1x!tpu.dma_semaphore, #tpu.memory_space<semaphore_mem>>
    %dma_wait3A_524 = tpu.memref_squeeze %dma_wait3A_523 : memref<1x!tpu.dma_semaphore, #tpu.memory_space<semaphore_mem>> -> memref<!tpu.dma_semaphore, #tpu.memory_space<semaphore_mem>>
    tpu.wait_indirect_dma semaphore(%dma_wait3A_524 : memref<!tpu.dma_semaphore, #tpu.memory_space<semaphore_mem>>) src(%dma_wait3A_522 : memref<100000x128xf32, #tpu.memory_space<hbm>>) dst(%dma_wait3A_516 : memref<128x128xf32, #tpu.memory_space<vmem>>)
    %add3A_525 = arith.constant 6144 : i32
    %add3A_526 = arith.addi %mul3A_2, %add3A_525 : i32
    %dma_start3A_527 = arith.constant 3 : i32
    %dma_start3A_528 = arith.constant 3 : i32
    %dma_start3A_529 = arith.constant 0 : i32
    %dma_start3A_530 = arith.constant 0 : i32
    %dma_start3A_531 = tpu.memref_slice %arg6[%dma_start3A_527, %dma_start3A_529, %dma_start3A_530] : memref<5x128x128xf32, #tpu.memory_space<vmem>> -> memref<1x128x128xf32, #tpu.memory_space<vmem>>
    %dma_start3A_532 = tpu.memref_squeeze %dma_start3A_531 : memref<1x128x128xf32, #tpu.memory_space<vmem>> -> memref<128x128xf32, #tpu.memory_space<vmem>>
    %dma_start3A_533 = arith.constant 0 : i32
    %dma_start3A_534 = tpu.memref_slice %arg4[%add3A_526, %dma_start3A_533] : memref<204800x128xf32, #tpu.memory_space<hbm>> -> memref<128x128xf32, #tpu.memory_space<hbm>>
    %dma_start3A_535 = tpu.memref_slice %arg8[%dma_start3A_528] : memref<5x!tpu.dma_semaphore, #tpu.memory_space<semaphore_mem>> -> memref<1x!tpu.dma_semaphore, #tpu.memory_space<semaphore_mem>>
    %dma_start3A_536 = tpu.memref_squeeze %dma_start3A_535 : memref<1x!tpu.dma_semaphore, #tpu.memory_space<semaphore_mem>> -> memref<!tpu.dma_semaphore, #tpu.memory_space<semaphore_mem>>
    %dma_start3A_537 = arith.constant 0 : i32
    %dma_start3A_538 = tpu.memref_slice %arg4[%add3A_526, %dma_start3A_537] : memref<204800x128xf32, #tpu.memory_space<hbm>> -> memref<128x128xf32, #tpu.memory_space<hbm>>
    %dma_start3A_539 = arith.constant 0 : i32
    %dma_start3A_540 = arith.constant 0 : i32
    %dma_start3A_541 = tpu.memref_slice %arg6[%dma_start3A_527, %dma_start3A_539, %dma_start3A_540] : memref<5x128x128xf32, #tpu.memory_space<vmem>> -> memref<1x128x128xf32, #tpu.memory_space<vmem>>
    %dma_start3A_542 = tpu.memref_squeeze %dma_start3A_541 : memref<1x128x128xf32, #tpu.memory_space<vmem>> -> memref<128x128xf32, #tpu.memory_space<vmem>>
    tpu.enqueue_dma source(%dma_start3A_542 : memref<128x128xf32, #tpu.memory_space<vmem>>) target(%dma_start3A_538 : memref<128x128xf32, #tpu.memory_space<hbm>>) target_semaphore(%dma_start3A_536 : memref<!tpu.dma_semaphore, #tpu.memory_space<semaphore_mem>>)
    %dma_wait3A_543 = arith.constant 49 : i32
    %dma_wait3A_544 = arith.constant 4 : i32
    %dma_wait3A_545 = arith.constant 4 : i32
    %dma_wait3A_546 = arith.constant 0 : i32
    %dma_wait3A_547 = arith.constant 0 : i32
    %dma_wait3A_548 = tpu.memref_slice %arg6[%dma_wait3A_544, %dma_wait3A_546, %dma_wait3A_547] : memref<5x128x128xf32, #tpu.memory_space<vmem>> -> memref<1x128x128xf32, #tpu.memory_space<vmem>>
    %dma_wait3A_549 = tpu.memref_squeeze %dma_wait3A_548 : memref<1x128x128xf32, #tpu.memory_space<vmem>> -> memref<128x128xf32, #tpu.memory_space<vmem>>
    %dma_wait3A_550 = arith.constant 0 : i32
    %dma_wait3A_551 = tpu.memref_slice %arg5[%dma_wait3A_543, %dma_wait3A_550] : memref<50x128xi32, #tpu.memory_space<vmem>> -> memref<1x128xi32, #tpu.memory_space<vmem>>
    %dma_wait3A_552 = tpu.memref_squeeze %dma_wait3A_551 : memref<1x128xi32, #tpu.memory_space<vmem>> -> memref<128xi32, #tpu.memory_space<vmem>>
    %dma_wait3A_553 = arith.constant 0 : i32
    %dma_wait3A_554 = arith.constant 0 : i32
    %dma_wait3A_555 = tpu.memref_slice %arg3[%dma_wait3A_553, %dma_wait3A_554] : memref<100000x128xf32, #tpu.memory_space<hbm>> -> memref<100000x128xf32, #tpu.memory_space<hbm>>
    %dma_wait3A_556 = tpu.memref_slice %arg7[%dma_wait3A_545] : memref<5x!tpu.dma_semaphore, #tpu.memory_space<semaphore_mem>> -> memref<1x!tpu.dma_semaphore, #tpu.memory_space<semaphore_mem>>
    %dma_wait3A_557 = tpu.memref_squeeze %dma_wait3A_556 : memref<1x!tpu.dma_semaphore, #tpu.memory_space<semaphore_mem>> -> memref<!tpu.dma_semaphore, #tpu.memory_space<semaphore_mem>>
    tpu.wait_indirect_dma semaphore(%dma_wait3A_557 : memref<!tpu.dma_semaphore, #tpu.memory_space<semaphore_mem>>) src(%dma_wait3A_555 : memref<100000x128xf32, #tpu.memory_space<hbm>>) dst(%dma_wait3A_549 : memref<128x128xf32, #tpu.memory_space<vmem>>)
    %add3A_558 = arith.constant 6272 : i32
    %add3A_559 = arith.addi %mul3A_2, %add3A_558 : i32
    %dma_start3A_560 = arith.constant 4 : i32
    %dma_start3A_561 = arith.constant 4 : i32
    %dma_start3A_562 = arith.constant 0 : i32
    %dma_start3A_563 = arith.constant 0 : i32
    %dma_start3A_564 = tpu.memref_slice %arg6[%dma_start3A_560, %dma_start3A_562, %dma_start3A_563] : memref<5x128x128xf32, #tpu.memory_space<vmem>> -> memref<1x128x128xf32, #tpu.memory_space<vmem>>
    %dma_start3A_565 = tpu.memref_squeeze %dma_start3A_564 : memref<1x128x128xf32, #tpu.memory_space<vmem>> -> memref<128x128xf32, #tpu.memory_space<vmem>>
    %dma_start3A_566 = arith.constant 0 : i32
    %dma_start3A_567 = tpu.memref_slice %arg4[%add3A_559, %dma_start3A_566] : memref<204800x128xf32, #tpu.memory_space<hbm>> -> memref<128x128xf32, #tpu.memory_space<hbm>>
    %dma_start3A_568 = tpu.memref_slice %arg8[%dma_start3A_561] : memref<5x!tpu.dma_semaphore, #tpu.memory_space<semaphore_mem>> -> memref<1x!tpu.dma_semaphore, #tpu.memory_space<semaphore_mem>>
    %dma_start3A_569 = tpu.memref_squeeze %dma_start3A_568 : memref<1x!tpu.dma_semaphore, #tpu.memory_space<semaphore_mem>> -> memref<!tpu.dma_semaphore, #tpu.memory_space<semaphore_mem>>
    %dma_start3A_570 = arith.constant 0 : i32
    %dma_start3A_571 = tpu.memref_slice %arg4[%add3A_559, %dma_start3A_570] : memref<204800x128xf32, #tpu.memory_space<hbm>> -> memref<128x128xf32, #tpu.memory_space<hbm>>
    %dma_start3A_572 = arith.constant 0 : i32
    %dma_start3A_573 = arith.constant 0 : i32
    %dma_start3A_574 = tpu.memref_slice %arg6[%dma_start3A_560, %dma_start3A_572, %dma_start3A_573] : memref<5x128x128xf32, #tpu.memory_space<vmem>> -> memref<1x128x128xf32, #tpu.memory_space<vmem>>
    %dma_start3A_575 = tpu.memref_squeeze %dma_start3A_574 : memref<1x128x128xf32, #tpu.memory_space<vmem>> -> memref<128x128xf32, #tpu.memory_space<vmem>>
    tpu.enqueue_dma source(%dma_start3A_575 : memref<128x128xf32, #tpu.memory_space<vmem>>) target(%dma_start3A_571 : memref<128x128xf32, #tpu.memory_space<hbm>>) target_semaphore(%dma_start3A_569 : memref<!tpu.dma_semaphore, #tpu.memory_space<semaphore_mem>>)
    %add3A_576 = arith.constant 5760 : i32
    %add3A_577 = arith.addi %mul3A_2, %add3A_576 : i32
    %dma_wait3A_578 = arith.constant 0 : i32
    %dma_wait3A_579 = arith.constant 0 : i32
    %dma_wait3A_580 = arith.constant 0 : i32
    %dma_wait3A_581 = arith.constant 0 : i32
    %dma_wait3A_582 = tpu.memref_slice %arg6[%dma_wait3A_578, %dma_wait3A_580, %dma_wait3A_581] : memref<5x128x128xf32, #tpu.memory_space<vmem>> -> memref<1x128x128xf32, #tpu.memory_space<vmem>>
    %dma_wait3A_583 = tpu.memref_squeeze %dma_wait3A_582 : memref<1x128x128xf32, #tpu.memory_space<vmem>> -> memref<128x128xf32, #tpu.memory_space<vmem>>
    %dma_wait3A_584 = arith.constant 0 : i32
    %dma_wait3A_585 = tpu.memref_slice %arg4[%add3A_577, %dma_wait3A_584] : memref<204800x128xf32, #tpu.memory_space<hbm>> -> memref<128x128xf32, #tpu.memory_space<hbm>>
    %dma_wait3A_586 = tpu.memref_slice %arg8[%dma_wait3A_579] : memref<5x!tpu.dma_semaphore, #tpu.memory_space<semaphore_mem>> -> memref<1x!tpu.dma_semaphore, #tpu.memory_space<semaphore_mem>>
    %dma_wait3A_587 = tpu.memref_squeeze %dma_wait3A_586 : memref<1x!tpu.dma_semaphore, #tpu.memory_space<semaphore_mem>> -> memref<!tpu.dma_semaphore, #tpu.memory_space<semaphore_mem>>
    %dma_wait3A_588 = arith.constant 0 : i32
    %dma_wait3A_589 = tpu.memref_slice %arg4[%add3A_577, %dma_wait3A_588] : memref<204800x128xf32, #tpu.memory_space<hbm>> -> memref<128x128xf32, #tpu.memory_space<hbm>>
    %dma_wait3A_590 = arith.constant 0 : i32
    %dma_wait3A_591 = arith.constant 0 : i32
    %dma_wait3A_592 = tpu.memref_slice %arg6[%dma_wait3A_578, %dma_wait3A_590, %dma_wait3A_591] : memref<5x128x128xf32, #tpu.memory_space<vmem>> -> memref<1x128x128xf32, #tpu.memory_space<vmem>>
    %dma_wait3A_593 = tpu.memref_squeeze %dma_wait3A_592 : memref<1x128x128xf32, #tpu.memory_space<vmem>> -> memref<128x128xf32, #tpu.memory_space<vmem>>
    tpu.wait_dma2 semaphore(%dma_wait3A_587 : memref<!tpu.dma_semaphore, #tpu.memory_space<semaphore_mem>>) src(%dma_wait3A_593 : memref<128x128xf32, #tpu.memory_space<vmem>>) dst(%dma_wait3A_589 : memref<128x128xf32, #tpu.memory_space<hbm>>)
    %add3A_594 = arith.constant 5888 : i32
    %add3A_595 = arith.addi %mul3A_2, %add3A_594 : i32
    %dma_wait3A_596 = arith.constant 1 : i32
    %dma_wait3A_597 = arith.constant 1 : i32
    %dma_wait3A_598 = arith.constant 0 : i32
    %dma_wait3A_599 = arith.constant 0 : i32
    %dma_wait3A_600 = tpu.memref_slice %arg6[%dma_wait3A_596, %dma_wait3A_598, %dma_wait3A_599] : memref<5x128x128xf32, #tpu.memory_space<vmem>> -> memref<1x128x128xf32, #tpu.memory_space<vmem>>
    %dma_wait3A_601 = tpu.memref_squeeze %dma_wait3A_600 : memref<1x128x128xf32, #tpu.memory_space<vmem>> -> memref<128x128xf32, #tpu.memory_space<vmem>>
    %dma_wait3A_602 = arith.constant 0 : i32
    %dma_wait3A_603 = tpu.memref_slice %arg4[%add3A_595, %dma_wait3A_602] : memref<204800x128xf32, #tpu.memory_space<hbm>> -> memref<128x128xf32, #tpu.memory_space<hbm>>
    %dma_wait3A_604 = tpu.memref_slice %arg8[%dma_wait3A_597] : memref<5x!tpu.dma_semaphore, #tpu.memory_space<semaphore_mem>> -> memref<1x!tpu.dma_semaphore, #tpu.memory_space<semaphore_mem>>
    %dma_wait3A_605 = tpu.memref_squeeze %dma_wait3A_604 : memref<1x!tpu.dma_semaphore, #tpu.memory_space<semaphore_mem>> -> memref<!tpu.dma_semaphore, #tpu.memory_space<semaphore_mem>>
    %dma_wait3A_606 = arith.constant 0 : i32
    %dma_wait3A_607 = tpu.memref_slice %arg4[%add3A_595, %dma_wait3A_606] : memref<204800x128xf32, #tpu.memory_space<hbm>> -> memref<128x128xf32, #tpu.memory_space<hbm>>
    %dma_wait3A_608 = arith.constant 0 : i32
    %dma_wait3A_609 = arith.constant 0 : i32
    %dma_wait3A_610 = tpu.memref_slice %arg6[%dma_wait3A_596, %dma_wait3A_608, %dma_wait3A_609] : memref<5x128x128xf32, #tpu.memory_space<vmem>> -> memref<1x128x128xf32, #tpu.memory_space<vmem>>
    %dma_wait3A_611 = tpu.memref_squeeze %dma_wait3A_610 : memref<1x128x128xf32, #tpu.memory_space<vmem>> -> memref<128x128xf32, #tpu.memory_space<vmem>>
    tpu.wait_dma2 semaphore(%dma_wait3A_605 : memref<!tpu.dma_semaphore, #tpu.memory_space<semaphore_mem>>) src(%dma_wait3A_611 : memref<128x128xf32, #tpu.memory_space<vmem>>) dst(%dma_wait3A_607 : memref<128x128xf32, #tpu.memory_space<hbm>>)
    %add3A_612 = arith.constant 6016 : i32
    %add3A_613 = arith.addi %mul3A_2, %add3A_612 : i32
    %dma_wait3A_614 = arith.constant 2 : i32
    %dma_wait3A_615 = arith.constant 2 : i32
    %dma_wait3A_616 = arith.constant 0 : i32
    %dma_wait3A_617 = arith.constant 0 : i32
    %dma_wait3A_618 = tpu.memref_slice %arg6[%dma_wait3A_614, %dma_wait3A_616, %dma_wait3A_617] : memref<5x128x128xf32, #tpu.memory_space<vmem>> -> memref<1x128x128xf32, #tpu.memory_space<vmem>>
    %dma_wait3A_619 = tpu.memref_squeeze %dma_wait3A_618 : memref<1x128x128xf32, #tpu.memory_space<vmem>> -> memref<128x128xf32, #tpu.memory_space<vmem>>
    %dma_wait3A_620 = arith.constant 0 : i32
    %dma_wait3A_621 = tpu.memref_slice %arg4[%add3A_613, %dma_wait3A_620] : memref<204800x128xf32, #tpu.memory_space<hbm>> -> memref<128x128xf32, #tpu.memory_space<hbm>>
    %dma_wait3A_622 = tpu.memref_slice %arg8[%dma_wait3A_615] : memref<5x!tpu.dma_semaphore, #tpu.memory_space<semaphore_mem>> -> memref<1x!tpu.dma_semaphore, #tpu.memory_space<semaphore_mem>>
    %dma_wait3A_623 = tpu.memref_squeeze %dma_wait3A_622 : memref<1x!tpu.dma_semaphore, #tpu.memory_space<semaphore_mem>> -> memref<!tpu.dma_semaphore, #tpu.memory_space<semaphore_mem>>
    %dma_wait3A_624 = arith.constant 0 : i32
    %dma_wait3A_625 = tpu.memref_slice %arg4[%add3A_613, %dma_wait3A_624] : memref<204800x128xf32, #tpu.memory_space<hbm>> -> memref<128x128xf32, #tpu.memory_space<hbm>>
    %dma_wait3A_626 = arith.constant 0 : i32
    %dma_wait3A_627 = arith.constant 0 : i32
    %dma_wait3A_628 = tpu.memref_slice %arg6[%dma_wait3A_614, %dma_wait3A_626, %dma_wait3A_627] : memref<5x128x128xf32, #tpu.memory_space<vmem>> -> memref<1x128x128xf32, #tpu.memory_space<vmem>>
    %dma_wait3A_629 = tpu.memref_squeeze %dma_wait3A_628 : memref<1x128x128xf32, #tpu.memory_space<vmem>> -> memref<128x128xf32, #tpu.memory_space<vmem>>
    tpu.wait_dma2 semaphore(%dma_wait3A_623 : memref<!tpu.dma_semaphore, #tpu.memory_space<semaphore_mem>>) src(%dma_wait3A_629 : memref<128x128xf32, #tpu.memory_space<vmem>>) dst(%dma_wait3A_625 : memref<128x128xf32, #tpu.memory_space<hbm>>)
    %add3A_630 = arith.constant 6144 : i32
    %add3A_631 = arith.addi %mul3A_2, %add3A_630 : i32
    %dma_wait3A_632 = arith.constant 3 : i32
    %dma_wait3A_633 = arith.constant 3 : i32
    %dma_wait3A_634 = arith.constant 0 : i32
    %dma_wait3A_635 = arith.constant 0 : i32
    %dma_wait3A_636 = tpu.memref_slice %arg6[%dma_wait3A_632, %dma_wait3A_634, %dma_wait3A_635] : memref<5x128x128xf32, #tpu.memory_space<vmem>> -> memref<1x128x128xf32, #tpu.memory_space<vmem>>
    %dma_wait3A_637 = tpu.memref_squeeze %dma_wait3A_636 : memref<1x128x128xf32, #tpu.memory_space<vmem>> -> memref<128x128xf32, #tpu.memory_space<vmem>>
    %dma_wait3A_638 = arith.constant 0 : i32
    %dma_wait3A_639 = tpu.memref_slice %arg4[%add3A_631, %dma_wait3A_638] : memref<204800x128xf32, #tpu.memory_space<hbm>> -> memref<128x128xf32, #tpu.memory_space<hbm>>
    %dma_wait3A_640 = tpu.memref_slice %arg8[%dma_wait3A_633] : memref<5x!tpu.dma_semaphore, #tpu.memory_space<semaphore_mem>> -> memref<1x!tpu.dma_semaphore, #tpu.memory_space<semaphore_mem>>
    %dma_wait3A_641 = tpu.memref_squeeze %dma_wait3A_640 : memref<1x!tpu.dma_semaphore, #tpu.memory_space<semaphore_mem>> -> memref<!tpu.dma_semaphore, #tpu.memory_space<semaphore_mem>>
    %dma_wait3A_642 = arith.constant 0 : i32
    %dma_wait3A_643 = tpu.memref_slice %arg4[%add3A_631, %dma_wait3A_642] : memref<204800x128xf32, #tpu.memory_space<hbm>> -> memref<128x128xf32, #tpu.memory_space<hbm>>
    %dma_wait3A_644 = arith.constant 0 : i32
    %dma_wait3A_645 = arith.constant 0 : i32
    %dma_wait3A_646 = tpu.memref_slice %arg6[%dma_wait3A_632, %dma_wait3A_644, %dma_wait3A_645] : memref<5x128x128xf32, #tpu.memory_space<vmem>> -> memref<1x128x128xf32, #tpu.memory_space<vmem>>
    %dma_wait3A_647 = tpu.memref_squeeze %dma_wait3A_646 : memref<1x128x128xf32, #tpu.memory_space<vmem>> -> memref<128x128xf32, #tpu.memory_space<vmem>>
    tpu.wait_dma2 semaphore(%dma_wait3A_641 : memref<!tpu.dma_semaphore, #tpu.memory_space<semaphore_mem>>) src(%dma_wait3A_647 : memref<128x128xf32, #tpu.memory_space<vmem>>) dst(%dma_wait3A_643 : memref<128x128xf32, #tpu.memory_space<hbm>>)
    %add3A_648 = arith.constant 6272 : i32
    %add3A_649 = arith.addi %mul3A_2, %add3A_648 : i32
    %dma_wait3A_650 = arith.constant 4 : i32
    %dma_wait3A_651 = arith.constant 4 : i32
    %dma_wait3A_652 = arith.constant 0 : i32
    %dma_wait3A_653 = arith.constant 0 : i32
    %dma_wait3A_654 = tpu.memref_slice %arg6[%dma_wait3A_650, %dma_wait3A_652, %dma_wait3A_653] : memref<5x128x128xf32, #tpu.memory_space<vmem>> -> memref<1x128x128xf32, #tpu.memory_space<vmem>>
    %dma_wait3A_655 = tpu.memref_squeeze %dma_wait3A_654 : memref<1x128x128xf32, #tpu.memory_space<vmem>> -> memref<128x128xf32, #tpu.memory_space<vmem>>
    %dma_wait3A_656 = arith.constant 0 : i32
    %dma_wait3A_657 = tpu.memref_slice %arg4[%add3A_649, %dma_wait3A_656] : memref<204800x128xf32, #tpu.memory_space<hbm>> -> memref<128x128xf32, #tpu.memory_space<hbm>>
    %dma_wait3A_658 = tpu.memref_slice %arg8[%dma_wait3A_651] : memref<5x!tpu.dma_semaphore, #tpu.memory_space<semaphore_mem>> -> memref<1x!tpu.dma_semaphore, #tpu.memory_space<semaphore_mem>>
    %dma_wait3A_659 = tpu.memref_squeeze %dma_wait3A_658 : memref<1x!tpu.dma_semaphore, #tpu.memory_space<semaphore_mem>> -> memref<!tpu.dma_semaphore, #tpu.memory_space<semaphore_mem>>
    %dma_wait3A_660 = arith.constant 0 : i32
    %dma_wait3A_661 = tpu.memref_slice %arg4[%add3A_649, %dma_wait3A_660] : memref<204800x128xf32, #tpu.memory_space<hbm>> -> memref<128x128xf32, #tpu.memory_space<hbm>>
    %dma_wait3A_662 = arith.constant 0 : i32
    %dma_wait3A_663 = arith.constant 0 : i32
    %dma_wait3A_664 = tpu.memref_slice %arg6[%dma_wait3A_650, %dma_wait3A_662, %dma_wait3A_663] : memref<5x128x128xf32, #tpu.memory_space<vmem>> -> memref<1x128x128xf32, #tpu.memory_space<vmem>>
    %dma_wait3A_665 = tpu.memref_squeeze %dma_wait3A_664 : memref<1x128x128xf32, #tpu.memory_space<vmem>> -> memref<128x128xf32, #tpu.memory_space<vmem>>
    tpu.wait_dma2 semaphore(%dma_wait3A_659 : memref<!tpu.dma_semaphore, #tpu.memory_space<semaphore_mem>>) src(%dma_wait3A_665 : memref<128x128xf32, #tpu.memory_space<vmem>>) dst(%dma_wait3A_661 : memref<128x128xf32, #tpu.memory_space<hbm>>)
    return
  }
}

</mosaic_0001>

<sc_bundles>
// kernel: _sc_gather.3.cloned.1.call-start
scs
__scs_entry_jumppad:
0x0: {  	(pc) =	sbr.rel $0x88, $3  }
0x1: {  	(tag) =	ssettag $0x0;
	lr =	simm.s32 $0x1  }
0x2: {  	[smem:$0x3F9F] =	sst lr;
	_ =	strace $0xD0000000  }
0x3: {  	_ = 	snop  }
0x4: {  	_ = 	snop  }
0x5: {  	_ = 	snop  }
0x6: {  	_ = 	snop  }
0x7: {  	_ = 	snop  }
__scs_overlays_trampoline_lowered:
0x8: {  	[smem:$0x3FAE] =	sst s0  }
0x9: {  	[smem:$0x3FAF] =	sst s1  }
0xa: {  	[smem:$0x3FB0] =	sst s2  }
0xb: {  	[smem:$0x3FB1] =	sst s3  }
0xc: {  	[smem:$0x3FB2] =	sst s4  }
0xd: {  	[smem:$0x3FB3] =	sst s5  }
0xe: {  	[smem:$0x3FB4] =	sst s6  }
0xf: {  	[smem:$0x3FB5] =	sst s7  }
0x10: {  	[smem:$0x3FB6] =	sst s8  }
0x11: {  	[smem:$0x3FB7] =	sst s9;
	s0 =	simm.s32 @!p0 $0x0  }
0x12: {  	s1 =	sld [smem:$0x3F9D];
	s0 =	simm.s32 @p0 $0x1  }
0x13: {  	[smem:$0x3FB8] =	sst s0;
	s0 =	simm.s32 @!p1 $0x0  }
0x14: {  	s2 =	sld [smem:$0x3F9C];
	s0 =	simm.s32 @p1 $0x1  }
0x15: {  	[smem:$0x3FB9] =	sst s0;
	s0 =	simm.s32 @!p2 $0x0  }
0x16: {  	s3 =	sld [smem:$0x3FDB];
	s0 =	simm.s32 @p2 $0x1  }
0x17: {  	s4 =	simm.s32 $0x1BF5;
	[smem:$0x3FBB] =	sst s0  }
0x18: {  	s0 =	sld [smem:$0x3F9E];
	_ =	swait.ge [sflag:s4], $0x0  }
0x19: {  	s7 =	sld [smem:$0x3F9F]  }
0x1a: {  	s8 =	sadd.s32 $0xFFFFE003, lr  }
0x1b: {  	s9 =	sadd.s32 $0xFFFFFEF7, lr;
	s5 =	simm.s32 $0xFFFFFFFF;
	p2 =	slt.u32 s8, $0xFFFFF086  }
0x1c: {  	p1 =	slt.u32 s9, $0xF7A;
	s5 =	simm.s32 @!p2 $0x0  }
0x1d: {  	s5 =	simm.s32 @p1 $0x1;
	p0 =	seq.s32 s7, s2  }
0x1e: {  	s7 =	smul.u32 @!p0 $0xF7A, s2;
	p2 =	seq.s32 @!p0 s5, $0x0  }
0x1f: {  	s9 =	smul.u32 $0xF7A, s1;
	s8 =	simm.s32 @!p0 $0x1BF5;
	p2 =	por !p2, p0  }
0x20: {  	[sflag:s8] =	ssyncset.s32 @!p0 $0xFFFFF086;
	s6 =	sadd.s32 @!p0 s3, s7;
	s7 =	simm.s32 @!p0 $0x108  }
0x21: {  	s3 =	sadd.s32 s3, s9;
	s6 =	sadd.s32 @!p0 $0x88, s6;
	s7 =	simm.s32 @p2 $0x1082  }
0x22: {  	[simem:s7], [sflag:s8] =	dma.local @!p0 [hbm:s6], $0xF7A  }
0x23: {  	s9 =	sor.u32 $0xD0000000, s2;
	s6 =	simm.s32 $0x108;
	_ =	swait.ge @!p0 [sflag:s8], $0x0  }
0x24: {  	s3 =	sadd.s32 $0x88, s3;
	s6 =	simm.s32 @!p1 $0x1082;
	[sflag:s4] =	ssyncset.s32 $0xFFFFF086  }
0x25: {  	[simem:s6], [sflag:s4] =	dma.local [hbm:s3], $0xF7A  }
0x26: {  	[smem:$0x3F9F] =	sst s1;
	(tag) =	ssettag s2;
	_ =	strace s9  }
0x27: {  	s1 =	sld [smem:$0x3FAF]  }
0x28: {  	s2 =	sld [smem:$0x3FB0]  }
0x29: {  	s4 =	sld [smem:$0x3FB2]  }
0x2a: {  	p0 =	seq.s32 s5, $0x0;
	s5 =	sld [smem:$0x3FB3]  }
0x2b: {  	s6 =	sld [smem:$0x3FB4]  }
0x2c: {  	s7 =	sld [smem:$0x3FB5]  }
0x2d: {  	s3 =	simm.s32 $0x108;
	s8 =	sld [smem:$0x3FB6]  }
0x2e: {  	s3 =	simm.s32 @!p0 $0x1082;
	s9 =	sld [smem:$0x3FB7]  }
0x2f: {  	lr =	sadd.s32 s0, s3;
	s0 =	sld [smem:$0x3FAE]  }
0x30: {  	s3 =	sld [smem:$0x3FB1]  }
0x31: {  	[smem:$0x3FBA] =	sst s10  }
0x32: {  	s10 =	sld [smem:$0x3FB8];
	_ =	sdelay $0x3  }
0x33: {  	p0 =	seq.s32 s10, $0x1;
	s10 =	sld [smem:$0x3FBA];
	_ =	sdelay $0x3  }
0x34: {  	[smem:$0x3FBA] =	sst s10  }
0x35: {  	s10 =	sld [smem:$0x3FB9];
	_ =	sdelay $0x3  }
0x36: {  	p1 =	seq.s32 s10, $0x1;
	s10 =	sld [smem:$0x3FBA];
	_ =	sdelay $0x3  }
0x37: {  	[smem:$0x3FBA] =	sst s10  }
0x38: {  	s10 =	sld [smem:$0x3FBB]  }
0x39: {  	_ = 	snop;
	(pc) =	sbr.ind lr, $3  }
0x3a: {  	_ = 	snop  }
0x3b: {  	_ = 	snop  }
0x3c: {  	p2 =	seq.s32 s10, $0x1;
	s10 =	sld [smem:$0x3FBA]  }
0x3d: {  	_ =	shalt  }
0x3e: {  	_ =	shalt  }
0x3f: {  	_ =	shalt  }
0x40: {  	_ =	shalt  }
0x41: {  	_ =	shalt  }
0x42: {  	_ =	shalt  }
0x43: {  	_ =	shalt  }
0x44: {  	_ =	shalt  }
0x45: {  	_ =	shalt  }
0x46: {  	_ =	shalt  }
0x47: {  	_ =	shalt  }
0x48: {  	_ =	shalt  }
0x49: {  	_ =	shalt  }
0x4a: {  	_ =	shalt  }
0x4b: {  	_ =	shalt  }
0x4c: {  	_ =	shalt  }
0x4d: {  	_ =	shalt  }
0x4e: {  	_ =	shalt  }
0x4f: {  	_ =	shalt  }
0x50: {  	_ =	shalt  }
0x51: {  	_ =	shalt  }
0x52: {  	_ =	shalt  }
0x53: {  	_ =	shalt  }
0x54: {  	_ =	shalt  }
0x55: {  	_ =	shalt  }
0x56: {  	_ =	shalt  }
0x57: {  	_ =	shalt  }
0x58: {  	_ =	shalt  }
0x59: {  	_ =	shalt  }
0x5a: {  	_ =	shalt  }
0x5b: {  	_ =	shalt  }
0x5c: {  	_ =	shalt  }
0x5d: {  	_ =	shalt  }
0x5e: {  	_ =	shalt  }
0x5f: {  	_ =	shalt  }
0x60: {  	_ =	shalt  }
0x61: {  	_ =	shalt  }
0x62: {  	_ =	shalt  }
0x63: {  	_ =	shalt  }
0x64: {  	_ =	shalt  }
0x65: {  	_ =	shalt  }
0x66: {  	_ =	shalt  }
0x67: {  	_ =	shalt  }
0x68: {  	_ =	shalt  }
0x69: {  	_ =	shalt  }
0x6a: {  	_ =	shalt  }
0x6b: {  	_ =	shalt  }
0x6c: {  	_ =	shalt  }
0x6d: {  	_ =	shalt  }
0x6e: {  	_ =	shalt  }
0x6f: {  	_ =	shalt  }
0x70: {  	_ =	shalt  }
0x71: {  	_ =	shalt  }
0x72: {  	_ =	shalt  }
0x73: {  	_ =	shalt  }
0x74: {  	_ =	shalt  }
0x75: {  	_ =	shalt  }
0x76: {  	_ =	shalt  }
0x77: {  	_ =	shalt  }
0x78: {  	_ =	shalt  }
0x79: {  	_ =	shalt  }
0x7a: {  	_ =	shalt  }
0x7b: {  	_ =	shalt  }
0x7c: {  	_ =	shalt  }
0x7d: {  	_ =	shalt  }
0x7e: {  	_ =	shalt  }
0x7f: {  	_ =	shalt  }
0x80: {  	_ =	shalt  }
0x81: {  	_ =	shalt  }
0x82: {  	_ =	shalt  }
0x83: {  	_ =	shalt  }
0x84: {  	_ =	shalt  }
0x85: {  	_ =	shalt  }
0x86: {  	_ =	shalt  }
0x87: {  	_ =	shalt  }
.Lfunc_end0:
.L_simem_size_0:
called_computation_lowered:
.L_overlay_start_0:
0x88: {  	s2 =	sld [smem:$0x3FD9]  }
0x89: {  	s3 =	sld [smem:$0x3FFE];
	_ =	sdelay $0x1  }
0x8a: {  	s1 =	srdreg.scid  }
0x8b: {  	s0 =	sand.u32 $0x1, s1  }
0x8c: {  	s17 =	sshll.u32 s0, $0xA;
	s2 =	sadd.s32 s3, s2  }
0x8d: {  	s2 =	sadd.s32 s2, s17  }
0x8e: {  	[smem:$0x3FC6] =	sst s2  }
0x8f: {  	_ = 	snop  }
0x90: {  	s2 =	sld [smem:$0x3FC8]  }
0x91: {  	s18 =	sld [smem:$0x3FD0];
	(tm) =	ssettm $0x1  }
0x92: {  	s4 =	sld [smem:$0x3FFB];
	_ =	sdelay $0x3  }
0x93: {  	_ =	strace s4  }
0x94: {  	s4 =	sld [smem:$0x3FFC];
	_ =	sdelay $0x3  }
0x95: {  	_ =	strace s4  }
0x96: {  	s4 =	sld [smem:$0x3FFD];
	_ =	sdelay $0x3  }
0x97: {  	_ =	strace s4  }
0x98: {  	_ =	strace $0x8FFFFFFF  }
0x99: {  	s19 =	sld [smem:$0x3FDB];
	_ =	sdelay $0x1  }
0x9a: {  	s5 =	simm.s32 $_scs_section_size  }
0x9b: {  	s6 =	simm.s32 $_size__tile_overlayer_lowered;
	s7 =	simm.s32 $_tile_overlayer_lowered  }
0x9c: {  	s22 =	simm.s32 $0x1BFF;
	s21 =	sshll.u32 s7, $0x1;
	s4 =	sadd.s32 s5, s19  }
0x9d: {  	s8 =	simm.s32 $0x0;
	s20 =	sshll.u32 s6, $0x1;
	s6 =	sadd.s32 s21, s4  }
0x9e: {  	[timem:s8], [sflag:s22] =	dma.local [hbm:s6], s20  }
0x9f: {  	_ =	swait.ge [sflag:s22], s20  }
0xa0: {  	s5 =	ssub.s32 $0x0, s20;
	[sflag:s22] =	ssyncset.done $0x0  }
0xa1: {  	[sflag:s22] =	ssyncadd.s32 s5;
	_ =	sdelay $0x1  }
0xa2: {  	s23 =	simm.s32 $0x1B8B  }
0xa3: {  	_ =	swait.ge [sflag:s23], $0x1  }
0xa4: {  	[sflag:s23] =	ssyncset.done $0x0  }
0xa5: {  	s25 =	simm.s32 $0x1B8E;
	s24 =	sld [smem:$0x3FFE];
	[sflag:s23] =	ssyncadd.s32 $0xFFFFFFFF  }
0xa6: {  	s26 =	simm.s32 $execute0_lowered;
	[smem:$0x3FD2] =	sst s25  }
0xa7: {  	s6 =	sshll.u32 s26, $0x1;
	_ =	strace $0x80000046;
	[dreg:$0x1] =	wrdreg $0xFFFFFFFF  }
0xa8: {  	s28 =	simm.s32 $_size_execute0_lowered;
	s4 =	sadd.s32 s4, s6;
	[dreg:$0x0] =	wrdreg $0x0  }
0xa9: {  	s6 =	sshll.u32 s28, $0x1;
	[dreg:$0x2] =	wrdreg s4  }
0xaa: {  	[dreg:$0x3] =	wrdreg s6  }
0xab: {  	[dreg:$0x4] =	wrdreg $0xC0  }
0xac: {  	_ =	task [dreg:s8], $0x5FFFF  }
0xad: {  	[dreg:$0x1] =	wrdreg $0xFFFFFFFF  }
0xae: {  	[dreg:$0x0] =	wrdreg $0x60  }
0xaf: {  	[dreg:$0x2] =	wrdreg s24  }
0xb0: {  	[dreg:$0x3] =	wrdreg s2  }
0xb1: {  	[dreg:$0x4] =	wrdreg s18  }
0xb2: {  	[dreg:$0x5] =	wrdreg $0x9  }
0xb3: {  	_ =	task.clear_ibuf [dreg:s8], $0x6FFFF;
	_ =	strace $0x90000046  }
0xb4: {  	s29 =	simm.s32 $0x9;
	_ =	strace $0x80000048  }
0xb5: {  	_ =	swait.ge [sflag:s29], $0x1  }
0xb6: {  	[sflag:s29] =	ssyncadd.s32 $0xFFFFFFFF  }
0xb7: {  	_ =	strace $0x90000048  }
0xb8: {  	_ =	sfence  }
0xb9: {  	s30 =	sld [smem:$0x0];
	_ =	sdelay $0x2  }
0xba: {  	s31 =	sshll.u32 s1, $0xD;
	s1 =	sshrl.u32 s1, $0x2  }
0xbb: {  	s3 =	sand.u32 $0x4000, s31;
	s1 =	sadd.s32 s1, s30  }
0xbc: {  	s0 =	sor.u32 s3, s0;
	s1 =	sshll.u32 s1, $0x11  }
0xbd: {  	s0 =	sor.u32 s1, s0  }
0xbe: {  	s0 =	sadd.s32 $0x8F2B, s0  }
0xbf: {  	[sflag:s0] =	ssyncadd.remote.s32 $0x1  }
0xc0: {  	_ =	sfence.sel $0xFFFF  }
0xc1: {  	[dreg:$0x0] =	wrdreg $0xFFFFFFFF;
	(pc) =	sbr.abs _section_cstart, $3  }
0xc2: {  	[dreg:$0x1] =	wrdreg $0xFFFFFFFF  }
0xc3: {  	_ =	task.clear_ibuf [dreg:s8], $0x2FFFF;
	_ =	strace $0x9FFFFFFF  }
0xc4: {  	(tm) =	ssettm $0x7FFFFFFF  }
0xc5: {  	_ =	shalt  }
tec
execute0_lowered:
.L_overlay_start_1:
0x0: {  	(tag) =	ssettag $0x1  }
0x1: {  	s0 =	rddreg [dreg:$0x0];
	s1 =	srdreg.scid  }
0x2: {  	s9 =	stileid.u32;
	s2 =	rddreg [dreg:$0x1]  }
0x3: {  	s5 =	rddreg [dreg:$0x2];
	s17 =	simm.s32 $0xB;
	s18 =	simm.s32 $0x80  }
0x4: {  	s19 =	simm.s32 $0x1C00;
	s29 =	simm.s32 $0x11C00;
	s30 =	simm.s32 $0x3  }
0x5: {  	s1 =	sand.u32 $0x1, s1;
	s3 =	sshll.u32 s9, $0x1;
	s25 =	smul.u32 $0x32000, s9  }
0x6: {  	s4 =	sor.u32 s1, s3;
	s8 =	ssub.s32 $0x2, s1;
	s1 =	smul.u32 $0x19000, s1  }
0x7: {  	s31 =	simm.s32 $0x6;
	s3 =	simm.s32 $0x0;
	s6 =	smul.u32 $0x380, s4  }
0x8: {  	s28 =	simm.s32 $0x5;
	[smem:$0x7FF] =	sst s3;
	s7 =	smul.u32 $0xC8000, s4  }
0x9: {  	s4 =	smul.u32 $0x19000, s4;
	s20 =	sshrl.u32 s8, $0x1;
	_ =	strace $0x80000047  }
0xa: {  	s0 =	sadd.s32 s6, s0;
	s7 =	sshrl.u32 s7, $0x3;
	s6 =	ssub.s32 s8, s20  }
0xb: {  	s4 =	sadd.s32 s5, s4;
	s20 =	simm.s32 $0x5C00;
	s0 =	sadd.s32 $0x400, s0  }
0xc: {  	s7 =	sadd.s32 s5, s7;
	s21 =	sadd.s32 $0x800, s4;
	[dreg:$0x4] =	wrdreg s0  }
0xd: {  	s15 =	smax.u32 s6, $0x1;
	s6 =	simm.s32 $0x0;
	[dreg:$0x5] =	wrdreg s21  }
0xe: {  	s22 =	sadd.s32 $0x1000, s7;
	s23 =	sadd.s32 $0x1800, s7;
	s24 =	sadd.s32 $0x2000, s7  }
0xf: {  	s26 =	sadd.s32 $0x16800, s7;
	s11 =	sadd.s32 $0x17000, s7;
	s12 =	sadd.s32 $0x17800, s7  }
0x10: {  	s13 =	sadd.s32 $0x18000, s7;
	s0 =	sadd.s32 s25, s5;
	[dreg:$0x6] =	wrdreg s22  }
0x11: {  	s14 =	sadd.s32 $0x18800, s7;
	s25 =	simm.s32 $0xDC00;
	[dreg:$0x7] =	wrdreg s23  }
0x12: {  	s21 =	simm.s32 $0x7;
	s5 =	simm.s32 $0xA;
	[dreg:$0x8] =	wrdreg s24  }
0x13: {  	[dreg:$0x9] =	wrdreg s26;
	s0 =	sadd.s32 s1, s0;
	s22 =	simm.s32 $0x9C00  }
0x14: {  	s23 =	simm.s32 $0x1;
	s26 =	simm.s32 $0x2;
	s1 =	simm.s32 $0x8  }
0x15: {  	s24 =	simm.s32 $0x9;
	s16 =	sadd.s32 $0x4800, s0;
	s0 =	simm.s32 $0x4  }
.LBB2_1:
0x16: {  	s7 =	rddreg [dreg:$0x4]  }
0x17: {  	[tilespmem:s3], [sflag:$0xB] =	stream.linear.gather [hbm4b:s7+s3], $0x1900, $0x38;
	[tilespmem:$0x15C00] =	vst v63  }
0x18: {  	_ =	swait.ge [sflag:s17], $0x1900  }
0x19: {  	[sflag:s17] =	ssyncset.done $0x0  }
0x1a: {  	[sflag:s17] =	ssyncadd.s32 $0xFFFFE700  }
0x1b: {  	[tilespmem:s19], [sflag:$0x1] =	stream.indirect.gather [hbm4b:s2+s18], $0x80, s3, s18, $0xb8;
	[tilespmem:$0x15C00] =	vst v63  }
0x1c: {  	_ = 	snop  }
0x1d: {  	[tilespmem:s20], [sflag:$0x2] =	stream.indirect.gather [hbm4b:s2+s18], $0x80, s18, s18, $0xb8;
	[tilespmem:$0x15C00] =	vst v63  }
0x1e: {  	s8 =	simm.s32 $0x100  }
0x1f: {  	[tilespmem:s22], [sflag:$0x3] =	stream.indirect.gather [hbm4b:s2+s18], $0x80, s8, s18, $0xb8;
	[tilespmem:$0x15C00] =	vst v63  }
0x20: {  	_ =	swait.ge [sflag:s23], $0x4000  }
0x21: {  	[sflag:s23] =	ssyncset.done $0x0  }
0x22: {  	[sflag:s23] =	ssyncadd.s32 $0xFFFFC000  }
0x23: {  	[hbm4b:s4+s3] =	stream.linear.scatter [tilespmem:s19], [sflag:$0x6], $0x4000, $0x38;
	[tilespmem:$0x15C00] =	vst v63  }
0x24: {  	s9 =	simm.s32 $0x180  }
0x25: {  	[tilespmem:s25], [sflag:$0x4] =	stream.indirect.gather [hbm4b:s2+s18], $0x80, s9, s18, $0xb8;
	[tilespmem:$0x15C00] =	vst v63  }
0x26: {  	_ =	swait.ge [sflag:s26], $0x4000  }
0x27: {  	[sflag:s26] =	ssyncset.done $0x0  }
0x28: {  	s10 =	rddreg [dreg:$0x5];
	[sflag:s26] =	ssyncadd.s32 $0xFFFFC000  }
0x29: {  	[hbm4b:s10+s3] =	stream.linear.scatter [tilespmem:s20], [sflag:$0x7], $0x4000, $0x38;
	[tilespmem:$0x15C00] =	vst v63  }
0x2a: {  	s8 =	simm.s32 $0x200  }
0x2b: {  	[tilespmem:s29], [sflag:$0x5] =	stream.indirect.gather [hbm4b:s2+s18], $0x80, s8, s18, $0xb8;
	[tilespmem:$0x15C00] =	vst v63  }
0x2c: {  	_ =	swait.ge [sflag:s30], $0x4000  }
0x2d: {  	[sflag:s30] =	ssyncset.done $0x0  }
0x2e: {  	s9 =	rddreg [dreg:$0x6];
	[sflag:s30] =	ssyncadd.s32 $0xFFFFC000  }
0x2f: {  	[hbm4b:s9+s3] =	stream.linear.scatter [tilespmem:s22], [sflag:$0x8], $0x4000, $0x38;
	[tilespmem:$0x15C00] =	vst v63  }
0x30: {  	_ =	swait.ge [sflag:s31], $0x4000  }
0x31: {  	[sflag:s31] =	ssyncset.done $0x0  }
0x32: {  	s10 =	simm.s32 $0x280;
	[sflag:s31] =	ssyncadd.s32 $0xFFFFC000  }
0x33: {  	[tilespmem:s19], [sflag:$0x1] =	stream.indirect.gather [hbm4b:s2+s18], $0x80, s10, s18, $0xb8;
	[tilespmem:$0x15C00] =	vst v63  }
0x34: {  	_ =	swait.ge [sflag:s0], $0x4000  }
0x35: {  	[sflag:s0] =	ssyncset.done $0x0  }
0x36: {  	s8 =	rddreg [dreg:$0x7];
	[sflag:s0] =	ssyncadd.s32 $0xFFFFC000  }
0x37: {  	[hbm4b:s8+s3] =	stream.linear.scatter [tilespmem:s25], [sflag:$0x9], $0x4000, $0x38;
	[tilespmem:$0x15C00] =	vst v63  }
0x38: {  	_ =	swait.ge [sflag:s21], $0x4000  }
0x39: {  	[sflag:s21] =	ssyncset.done $0x0  }
0x3a: {  	s9 =	simm.s32 $0x300;
	[sflag:s21] =	ssyncadd.s32 $0xFFFFC000  }
0x3b: {  	[tilespmem:s20], [sflag:$0x2] =	stream.indirect.gather [hbm4b:s2+s18], $0x80, s9, s18, $0xb8;
	[tilespmem:$0x15C00] =	vst v63  }
0x3c: {  	_ =	swait.ge [sflag:s28], $0x4000  }
0x3d: {  	[sflag:s28] =	ssyncset.done $0x0  }
0x3e: {  	s10 =	rddreg [dreg:$0x8];
	[sflag:s28] =	ssyncadd.s32 $0xFFFFC000  }
0x3f: {  	[hbm4b:s10+s3] =	stream.linear.scatter [tilespmem:s29], [sflag:$0xA], $0x4000, $0x38;
	[tilespmem:$0x15C00] =	vst v63  }
0x40: {  	_ =	swait.ge [sflag:s1], $0x4000  }
0x41: {  	[sflag:s1] =	ssyncset.done $0x0  }
0x42: {  	s8 =	simm.s32 $0x380;
	[sflag:s1] =	ssyncadd.s32 $0xFFFFC000  }
0x43: {  	[tilespmem:s22], [sflag:$0x3] =	stream.indirect.gather [hbm4b:s2+s18], $0x80, s8, s18, $0xb8;
	[tilespmem:$0x15C00] =	vst v63  }
0x44: {  	_ =	swait.ge [sflag:s23], $0x4000  }
0x45: {  	[sflag:s23] =	ssyncset.done $0x0  }
0x46: {  	s9 =	sadd.s32 $0xFFFFE000, s16;
	[sflag:s23] =	ssyncadd.s32 $0xFFFFC000  }
0x47: {  	[hbm4b:s9+s3] =	stream.linear.scatter [tilespmem:s19], [sflag:$0x6], $0x4000, $0x38;
	[tilespmem:$0x15C00] =	vst v63  }
0x48: {  	_ =	swait.ge [sflag:s24], $0x4000  }
0x49: {  	[sflag:s24] =	ssyncset.done $0x0  }
0x4a: {  	s10 =	simm.s32 $0x400;
	[sflag:s24] =	ssyncadd.s32 $0xFFFFC000  }
0x4b: {  	[tilespmem:s25], [sflag:$0x4] =	stream.indirect.gather [hbm4b:s2+s18], $0x80, s10, s18, $0xb8;
	[tilespmem:$0x15C00] =	vst v63  }
0x4c: {  	_ =	swait.ge [sflag:s26], $0x4000  }
0x4d: {  	[sflag:s26] =	ssyncset.done $0x0  }
0x4e: {  	s8 =	sadd.s32 $0xFFFFE800, s16;
	[sflag:s26] =	ssyncadd.s32 $0xFFFFC000  }
0x4f: {  	[hbm4b:s8+s3] =	stream.linear.scatter [tilespmem:s20], [sflag:$0x7], $0x4000, $0x38;
	[tilespmem:$0x15C00] =	vst v63  }
0x50: {  	_ =	swait.ge [sflag:s5], $0x4000  }
0x51: {  	[sflag:s5] =	ssyncset.done $0x0  }
0x52: {  	s9 =	simm.s32 $0x480;
	[sflag:s5] =	ssyncadd.s32 $0xFFFFC000  }
0x53: {  	[tilespmem:s29], [sflag:$0x5] =	stream.indirect.gather [hbm4b:s2+s18], $0x80, s9, s18, $0xb8;
	[tilespmem:$0x15C00] =	vst v63  }
0x54: {  	_ =	swait.ge [sflag:s30], $0x4000  }
0x55: {  	[sflag:s30] =	ssyncset.done $0x0  }
0x56: {  	s10 =	sadd.s32 $0xFFFFF000, s16;
	[sflag:s30] =	ssyncadd.s32 $0xFFFFC000  }
0x57: {  	[hbm4b:s10+s3] =	stream.linear.scatter [tilespmem:s22], [sflag:$0x8], $0x4000, $0x38;
	[tilespmem:$0x15C00] =	vst v63  }
0x58: {  	_ =	swait.ge [sflag:s31], $0x4000  }
0x59: {  	[sflag:s31] =	ssyncset.done $0x0  }
0x5a: {  	s8 =	simm.s32 $0x500;
	[sflag:s31] =	ssyncadd.s32 $0xFFFFC000  }
0x5b: {  	[tilespmem:s19], [sflag:$0x1] =	stream.indirect.gather [hbm4b:s2+s18], $0x80, s8, s18, $0xb8;
	[tilespmem:$0x15C00] =	vst v63  }
0x5c: {  	_ =	swait.ge [sflag:s0], $0x4000  }
0x5d: {  	[sflag:s0] =	ssyncset.done $0x0  }
0x5e: {  	s9 =	sadd.s32 $0xFFFFF800, s16;
	[sflag:s0] =	ssyncadd.s32 $0xFFFFC000  }
0x5f: {  	[hbm4b:s9+s3] =	stream.linear.scatter [tilespmem:s25], [sflag:$0x9], $0x4000, $0x38;
	[tilespmem:$0x15C00] =	vst v63  }
0x60: {  	_ =	swait.ge [sflag:s21], $0x4000  }
0x61: {  	[sflag:s21] =	ssyncset.done $0x0  }
0x62: {  	s10 =	simm.s32 $0x580;
	[sflag:s21] =	ssyncadd.s32 $0xFFFFC000  }
0x63: {  	[tilespmem:s20], [sflag:$0x2] =	stream.indirect.gather [hbm4b:s2+s18], $0x80, s10, s18, $0xb8;
	[tilespmem:$0x15C00] =	vst v63  }
0x64: {  	_ =	swait.ge [sflag:s28], $0x4000  }
0x65: {  	[sflag:s28] =	ssyncset.done $0x0  }
0x66: {  	[sflag:s28] =	ssyncadd.s32 $0xFFFFC000  }
0x67: {  	[hbm4b:s16+s3] =	stream.linear.scatter [tilespmem:s29], [sflag:$0xA], $0x4000, $0x38;
	[tilespmem:$0x15C00] =	vst v63  }
0x68: {  	_ =	swait.ge [sflag:s1], $0x4000  }
0x69: {  	s7 =	simm.s32 $0xA00;
	[sflag:s1] =	ssyncset.done $0x0  }
0x6a: {  	s8 =	sadd.s32 $0x2800, s16;
	s9 =	simm.s32 $0x600;
	[sflag:s1] =	ssyncadd.s32 $0xFFFFC000  }
.LBB2_2:
0x6b: {  	[tilespmem:s22], [sflag:$0x3] =	stream.indirect.gather [hbm4b:s2+s18], $0x80, s9, s18, $0xb8;
	[tilespmem:$0x15C00] =	vst v63  }
0x6c: {  	s9 =	smov.u32 s7  }
0x6d: {  	p0 =	sne.s32 s7, $0x4600;
	s7 =	sadd.s32 $0xA00, s7;
	_ =	swait.ge [sflag:s23], $0x4000  }
0x6e: {  	[sflag:s23] =	ssyncset.done $0x0  }
0x6f: {  	s10 =	sadd.s32 $0xFFFFE000, s8;
	[sflag:s23] =	ssyncadd.s32 $0xFFFFC000  }
0x70: {  	[hbm4b:s10+s3] =	stream.linear.scatter [tilespmem:s19], [sflag:$0x6], $0x4000, $0x38;
	[tilespmem:$0x15C00] =	vst v63  }
0x71: {  	_ =	swait.ge [sflag:s24], $0x4000  }
0x72: {  	s9 =	sshra.s32 s9, $0x2;
	[sflag:s24] =	ssyncset.done $0x0  }
0x73: {  	s10 =	sadd.s32 $0x400, s9;
	[sflag:s24] =	ssyncadd.s32 $0xFFFFC000  }
0x74: {  	[tilespmem:s25], [sflag:$0x4] =	stream.indirect.gather [hbm4b:s2+s18], $0x80, s10, s18, $0xb8;
	[tilespmem:$0x15C00] =	vst v63  }
0x75: {  	_ =	swait.ge [sflag:s26], $0x4000  }
0x76: {  	[sflag:s26] =	ssyncset.done $0x0  }
0x77: {  	s10 =	sadd.s32 $0xFFFFE800, s8;
	[sflag:s26] =	ssyncadd.s32 $0xFFFFC000  }
0x78: {  	[hbm4b:s10+s3] =	stream.linear.scatter [tilespmem:s20], [sflag:$0x7], $0x4000, $0x38;
	[tilespmem:$0x15C00] =	vst v63  }
0x79: {  	_ =	swait.ge [sflag:s5], $0x4000  }
0x7a: {  	[sflag:s5] =	ssyncset.done $0x0  }
0x7b: {  	s10 =	sadd.s32 $0x480, s9;
	[sflag:s5] =	ssyncadd.s32 $0xFFFFC000  }
0x7c: {  	[tilespmem:s29], [sflag:$0x5] =	stream.indirect.gather [hbm4b:s2+s18], $0x80, s10, s18, $0xb8;
	[tilespmem:$0x15C00] =	vst v63  }
0x7d: {  	_ =	swait.ge [sflag:s30], $0x4000  }
0x7e: {  	[sflag:s30] =	ssyncset.done $0x0  }
0x7f: {  	s10 =	sadd.s32 $0xFFFFF000, s8;
	[sflag:s30] =	ssyncadd.s32 $0xFFFFC000  }
0x80: {  	[hbm4b:s10+s3] =	stream.linear.scatter [tilespmem:s22], [sflag:$0x8], $0x4000, $0x38;
	[tilespmem:$0x15C00] =	vst v63  }
0x81: {  	_ =	swait.ge [sflag:s31], $0x4000  }
0x82: {  	[sflag:s31] =	ssyncset.done $0x0  }
0x83: {  	s10 =	sadd.s32 $0x500, s9;
	[sflag:s31] =	ssyncadd.s32 $0xFFFFC000  }
0x84: {  	[tilespmem:s19], [sflag:$0x1] =	stream.indirect.gather [hbm4b:s2+s18], $0x80, s10, s18, $0xb8;
	[tilespmem:$0x15C00] =	vst v63  }
0x85: {  	_ =	swait.ge [sflag:s0], $0x4000  }
0x86: {  	[sflag:s0] =	ssyncset.done $0x0  }
0x87: {  	s10 =	sadd.s32 $0xFFFFF800, s8;
	[sflag:s0] =	ssyncadd.s32 $0xFFFFC000  }
0x88: {  	[hbm4b:s10+s3] =	stream.linear.scatter [tilespmem:s25], [sflag:$0x9], $0x4000, $0x38;
	[tilespmem:$0x15C00] =	vst v63  }
0x89: {  	_ =	swait.ge [sflag:s21], $0x4000  }
0x8a: {  	[sflag:s21] =	ssyncset.done $0x0  }
0x8b: {  	s10 =	sadd.s32 $0x580, s9;
	[sflag:s21] =	ssyncadd.s32 $0xFFFFC000  }
0x8c: {  	[tilespmem:s20], [sflag:$0x2] =	stream.indirect.gather [hbm4b:s2+s18], $0x80, s10, s18, $0xb8;
	[tilespmem:$0x15C00] =	vst v63  }
0x8d: {  	_ =	swait.ge [sflag:s28], $0x4000  }
0x8e: {  	[sflag:s28] =	ssyncset.done $0x0  }
.Ltmp0:
0x8f: {  	[sflag:s28] =	ssyncadd.s32 $0xFFFFC000;
	(pc) =	sbr.rel @p0 .LBB2_2-.Ltmp0, $4  }
0x90: {  	[hbm4b:s8+s3] =	stream.linear.scatter [tilespmem:s29], [sflag:$0xA], $0x4000, $0x38;
	[tilespmem:$0x15C00] =	vst v63  }
0x91: {  	_ =	swait.ge [sflag:s1], $0x4000  }
0x92: {  	[sflag:s1] =	ssyncset.done $0x0  }
0x93: {  	s9 =	sadd.s32 $0x600, s9;
	s8 =	sadd.s32 $0x2800, s8;
	[sflag:s1] =	ssyncadd.s32 $0xFFFFC000  }
0x94: {  	[tilespmem:s22], [sflag:$0x3] =	stream.indirect.gather [hbm4b:s2+s18], $0x80, s9, s18, $0xb8;
	[tilespmem:$0x15C00] =	vst v63  }
0x95: {  	_ =	swait.ge [sflag:s23], $0x4000  }
0x96: {  	[sflag:s23] =	ssyncset.done $0x0  }
0x97: {  	s7 =	rddreg [dreg:$0x9];
	[sflag:s23] =	ssyncadd.s32 $0xFFFFC000  }
0x98: {  	[hbm4b:s7+s3] =	stream.linear.scatter [tilespmem:s19], [sflag:$0x6], $0x4000, $0x38;
	[tilespmem:$0x15C00] =	vst v63  }
0x99: {  	_ =	swait.ge [sflag:s24], $0x4000  }
0x9a: {  	[sflag:s24] =	ssyncset.done $0x0  }
0x9b: {  	s9 =	simm.s32 $0x1800;
	[sflag:s24] =	ssyncadd.s32 $0xFFFFC000  }
0x9c: {  	[tilespmem:s25], [sflag:$0x4] =	stream.indirect.gather [hbm4b:s2+s18], $0x80, s9, s18, $0xb8;
	[tilespmem:$0x15C00] =	vst v63  }
0x9d: {  	_ =	swait.ge [sflag:s26], $0x4000  }
0x9e: {  	[sflag:s26] =	ssyncset.done $0x0  }
0x9f: {  	[sflag:s26] =	ssyncadd.s32 $0xFFFFC000  }
0xa0: {  	[hbm4b:s11+s3] =	stream.linear.scatter [tilespmem:s20], [sflag:$0x7], $0x4000, $0x38;
	[tilespmem:$0x15C00] =	vst v63  }
0xa1: {  	_ =	swait.ge [sflag:s5], $0x4000  }
0xa2: {  	[sflag:s5] =	ssyncset.done $0x0  }
0xa3: {  	s10 =	simm.s32 $0x1880;
	[sflag:s5] =	ssyncadd.s32 $0xFFFFC000  }
0xa4: {  	[tilespmem:s29], [sflag:$0x5] =	stream.indirect.gather [hbm4b:s2+s18], $0x80, s10, s18, $0xb8;
	[tilespmem:$0x15C00] =	vst v63  }
0xa5: {  	_ =	swait.ge [sflag:s30], $0x4000  }
0xa6: {  	[sflag:s30] =	ssyncset.done $0x0  }
0xa7: {  	[sflag:s30] =	ssyncadd.s32 $0xFFFFC000  }
0xa8: {  	[hbm4b:s12+s3] =	stream.linear.scatter [tilespmem:s22], [sflag:$0x8], $0x4000, $0x38;
	[tilespmem:$0x15C00] =	vst v63  }
0xa9: {  	_ =	swait.ge [sflag:s0], $0x4000  }
0xaa: {  	[sflag:s0] =	ssyncset.done $0x0  }
0xab: {  	[sflag:s0] =	ssyncadd.s32 $0xFFFFC000  }
0xac: {  	[hbm4b:s13+s3] =	stream.linear.scatter [tilespmem:s25], [sflag:$0x9], $0x4000, $0x38;
	[tilespmem:$0x15C00] =	vst v63  }
0xad: {  	_ =	swait.ge [sflag:s28], $0x4000  }
0xae: {  	[sflag:s28] =	ssyncset.done $0x0  }
0xaf: {  	[sflag:s28] =	ssyncadd.s32 $0xFFFFC000  }
0xb0: {  	[hbm4b:s14+s3] =	stream.linear.scatter [tilespmem:s29], [sflag:$0xA], $0x4000, $0x38;
	[tilespmem:$0x15C00] =	vst v63  }
0xb1: {  	_ =	swait.ge [sflag:s31], $0x4000  }
0xb2: {  	[sflag:s31] =	ssyncset.done $0x0  }
0xb3: {  	[sflag:s31] =	ssyncadd.s32 $0xFFFFC000  }
0xb4: {  	_ =	swait.ge [sflag:s21], $0x4000  }
0xb5: {  	[sflag:s21] =	ssyncset.done $0x0  }
0xb6: {  	[sflag:s21] =	ssyncadd.s32 $0xFFFFC000  }
0xb7: {  	_ =	swait.ge [sflag:s1], $0x4000  }
0xb8: {  	[sflag:s1] =	ssyncset.done $0x0  }
0xb9: {  	s6 =	sadd.s32 $0x1, s6;
	[sflag:s1] =	ssyncadd.s32 $0xFFFFC000  }
0xba: {  	p0 =	sne.s32 s6, s15;
	_ =	swait.ge [sflag:s24], $0x4000  }
.Ltmp1:
0xbb: {  	[sflag:s24] =	ssyncset.done $0x0;
	(pc) =	sbr.rel @p0 .LBB2_1-.Ltmp1, $4  }
0xbc: {  	[sflag:s24] =	ssyncadd.s32 $0xFFFFC000  }
0xbd: {  	_ =	swait.ge [sflag:s5], $0x4000  }
0xbe: {  	[sflag:s5] =	ssyncset.done $0x0  }
0xbf: {  	[sflag:s5] =	ssyncadd.s32 $0xFFFFC000  }
0xc0: {  	_ =	sfence.sel $0x180000  }
0xc1: {  	[bflag:$0x0] =	sbarrier.arrive $0xFFFF  }
0xc2: {  	_ =	strace $0x90000047  }
0xc3: {  	s0 =	stileid.u32;
	[bflag:$0x2] =	sbarrier.arrive $0xFFFF  }
0xc4: {  	p0 =	sne.s32 s0, $0x0;
	s0 =	rddreg [dreg:$0x3]  }
0xc5: {  	s0 =	sadd.s32 @!p0 $0x100000, s0  }
0xc6: {  	[sflag:s0] =	ssyncadd.tile.s32 @!p0 $0x1;
	_ =	shalt  }
.Lfunc_end2:
_tile_overlayer_lowered:
.L_overlay_start_2:
0xc7: {  	(tag) =	ssettag $0x2  }
0xc8: {  	s0 =	rddreg [dreg:$0x0];
	s2 =	stileid.u32  }
0xc9: {  	s1 =	rddreg [dreg:$0x1];
	p0 =	sne.s32 s2, $0x0  }
0xca: {  	s3 =	rddreg [dreg:$0x2];
	[bflag:$0x3] =	sbarrier.arrive $0xFFFF;
	s2 =	simm.s32 @!p0 $0x1C0B  }
0xcb: {  	[timem:s3], [sflag:s2] =	dma.local @!p0 [hbm:s0], s1  }
0xcc: {  	s0 =	simm.s32 @!p0 $0xB  }
0xcd: {  	_ =	swait.ge @!p0 [sflag:s0], s1  }
0xce: {  	s1 =	ssub.s32 @!p0 $0x0, s1;
	[sflag:s0] =	ssyncset.done @!p0 $0x0  }
0xcf: {  	[sflag:s0] =	ssyncadd.s32 @!p0 s1  }
0xd0: {  	[bflag:$0x3] =	sbarrier.arrive $0xFFFF  }
0xd1: {  	_ =	shalt  }

</sc_bundles>
